<compile_context>
chip_gen: v7x
topology: tpu7x:2x2x1
jax: 0.10.2.dev20260603
libtpu: 0.0.44.dev20260713+nightly
codegen_flags: <defaults>
</compile_context>

<pallas_src>
import functools

import jax
import jax.numpy as jnp
import numpy as np
from jax import lax
from jax.experimental import pallas as pl
from jax.experimental.pallas import tpu as pltpu
from jax.experimental.pallas import tpu_sc as plsc

B = 16384
D = 64
NC = 2
NS = 16
NW = NC * NS
BPW = B // NW
CHUNK = 128
NCH = BPW // CHUNK

_INV_SQRT = float(1.0 / np.sqrt(1.0 + 1e-5))


@functools.cache
def _make_sc_gather():
    mesh = plsc.VectorSubcoreMesh(core_axis_name="c", subcore_axis_name="s")

    @functools.partial(
        pl.kernel,
        mesh=mesh,
        out_type=[
            jax.ShapeDtypeStruct((B, 128), jnp.float32),
            jax.ShapeDtypeStruct((B, 128), jnp.float32),
        ],
        scratch_types=[
            pltpu.VMEM((NCH, CHUNK), jnp.int32),
            pltpu.VMEM((NCH, CHUNK), jnp.int32),
            pltpu.VMEM((BPW, 128), jnp.float32),
            pltpu.SemaphoreType.DMA,
        ],
    )
    def _sc_gather(uq_hbm, iq_hbm, ut_hbm, it_hbm, ue_hbm, ie_hbm,
                   uq, iq, rows, sem):
        wid = lax.axis_index("s") * NC + lax.axis_index("c")
        base = wid * BPW
        pltpu.sync_copy(uq_hbm.at[wid], uq)
        pltpu.sync_copy(iq_hbm.at[wid], iq)
        for tbl, idx, out in ((ut_hbm, uq, ue_hbm), (it_hbm, iq, ie_hbm)):
            copies = [
                pltpu.async_copy(tbl.at[idx.at[j]],
                                 rows.at[pl.ds(j * CHUNK, CHUNK)], sem)
                for j in range(NCH)
            ]
            for c in copies:
                c.wait()
            pltpu.sync_copy(rows, out.at[pl.ds(base, BPW)])

    return _sc_gather


KBLK = 1024
TGRID = 1_000_000 // (2 * KBLK)
NPACK = TGRID * KBLK
TSTART = 2 * KBLK * TGRID
TAIL = 1_000_000 - TSTART


def _tr_body(xa_ref, xb_ref, i_ref, out_ref):
    ident = i_ref[...]
    dn = (((0,), (0,)), ((), ()))
    out_ref[:, 0:D] = lax.dot_general(
        xa_ref[...], ident, dn, preferred_element_type=jnp.float32)
    out_ref[:, D:2 * D] = lax.dot_general(
        xb_ref[...], ident, dn, preferred_element_type=jnp.float32)


def _transpose_pack(table):
    table_t = table.T
    return pl.pallas_call(
        _tr_body,
        grid=(TGRID,),
        in_specs=[
            pl.BlockSpec((D, KBLK), lambda i: (0, 2 * i)),
            pl.BlockSpec((D, KBLK), lambda i: (0, 2 * i + 1)),
            pl.BlockSpec((D, D), lambda i: (0, 0)),
        ],
        out_specs=pl.BlockSpec((KBLK, 128), lambda i: (i, 0)),
        out_shape=jax.ShapeDtypeStruct((NPACK, 128), jnp.float32),
    )(table_t, table_t, jnp.eye(D, dtype=jnp.float32))


def _packed_row(ids):
    q = ((ids >> 11) << 10) + (ids & 1023)
    return jnp.minimum(q, NPACK - 1)


BLK = 2048
GRID = B // BLK


def _tail_fix(x, ids2d, tail_ref):
    onehot = (lax.broadcasted_iota(jnp.int32, (BLK, TAIL), 1)
              == (ids2d - TSTART)).astype(jnp.float32)
    xfix = lax.dot_general(onehot, tail_ref[...], (((1,), (1,)), ((), ())),
                           preferred_element_type=jnp.float32)
    return jnp.where(ids2d >= TSTART, xfix, x)


def _mlp_body(ue_ref, ie_ref, uid_ref, iid_ref, tailu_ref, taili_ref,
              w0_ref, b0_ref, g0_ref, bt0_ref,
              w1_ref, b1_ref, g1_ref, bt1_ref,
              w2_ref, b2_ref, g2_ref, bt2_ref,
              wo_ref, bo_ref, out_ref):
    uid2 = uid_ref[0]
    iid2 = iid_ref[0]
    uhi = ((uid2 >> 10) & 1) == 1
    ihi = ((iid2 >> 10) & 1) == 1
    xu = jnp.where(uhi, ue_ref[:, D:], ue_ref[:, :D])
    xi = jnp.where(ihi, ie_ref[:, D:], ie_ref[:, :D])
    xu = _tail_fix(xu, uid2, tailu_ref)
    xi = _tail_fix(xi, iid2, taili_ref)
    x = (jnp.dot(xu, w0_ref[0:D, :], preferred_element_type=jnp.float32)
         + jnp.dot(xi, w0_ref[D:2 * D, :], preferred_element_type=jnp.float32)
         + b0_ref[...])
    x = jnp.maximum(x, 0.0) * (g0_ref[...] * _INV_SQRT) + bt0_ref[...]
    x = jnp.dot(x, w1_ref[...], preferred_element_type=jnp.float32) + b1_ref[...]
    x = jnp.maximum(x, 0.0) * (g1_ref[...] * _INV_SQRT) + bt1_ref[...]
    x = jnp.dot(x, w2_ref[...], preferred_element_type=jnp.float32) + b2_ref[...]
    x = jnp.maximum(x, 0.0) * (g2_ref[...] * _INV_SQRT) + bt2_ref[...]
    z = jnp.sum(x * wo_ref[...], axis=1) + bo_ref[0, 0]
    out_ref[...] = 1.0 / (1.0 + jnp.exp(-z))


def _full(shape):
    return pl.BlockSpec(shape, lambda i: (0,) * len(shape))


def _mlp_call(ue, ie, user_ids, item_ids, tailu, taili, weights):
    (W0, b0, gamma0, beta0, W1, b1, gamma1, beta1,
     W2, b2, gamma2, beta2, Wo, bo) = weights
    ins = [ue, ie,
           user_ids.reshape(GRID, BLK, 1), item_ids.reshape(GRID, BLK, 1),
           tailu, taili]
    in_specs = [
        pl.BlockSpec((BLK, 128), lambda i: (i, 0)),
        pl.BlockSpec((BLK, 128), lambda i: (i, 0)),
        pl.BlockSpec((1, BLK, 1), lambda i: (i, 0, 0)),
        pl.BlockSpec((1, BLK, 1), lambda i: (i, 0, 0)),
        _full((D, TAIL)),
        _full((D, TAIL)),
    ]
    for (W, b, g, bt) in ((W0, b0, gamma0, beta0), (W1, b1, gamma1, beta1),
                          (W2, b2, gamma2, beta2)):
        h = W.shape[1]
        ins += [W, b.reshape(1, h), g.reshape(1, h), bt.reshape(1, h)]
        in_specs += [_full(W.shape), _full((1, h)), _full((1, h)), _full((1, h))]
    ins += [Wo.reshape(1, Wo.shape[0]), bo.reshape(1, 1)]
    in_specs += [_full((1, Wo.shape[0])),
                 pl.BlockSpec(memory_space=pltpu.SMEM)]
    return pl.pallas_call(
        _mlp_body,
        grid=(GRID,),
        in_specs=in_specs,
        out_specs=pl.BlockSpec((BLK,), lambda i: (i,)),
        out_shape=jax.ShapeDtypeStruct((B,), jnp.float32),
    )(*ins)


def kernel(user_ids, item_ids, user_table, item_table,
           W0, b0, gamma0, beta0,
           W1, b1, gamma1, beta1,
           W2, b2, gamma2, beta2,
           Wo, bo):
    user_ids = user_ids.astype(jnp.int32)
    item_ids = item_ids.astype(jnp.int32)
    ut2 = _transpose_pack(user_table)
    it2 = _transpose_pack(item_table)
    uq3 = _packed_row(user_ids).reshape(NW, NCH, CHUNK)
    iq3 = _packed_row(item_ids).reshape(NW, NCH, CHUNK)
    ue, ie = _make_sc_gather()(uq3, iq3, ut2, it2)
    tailu = user_table.T[:, TSTART:]
    taili = item_table.T[:, TSTART:]
    return _mlp_call(ue, ie, user_ids, item_ids, tailu, taili,
                     (W0, b0, gamma0, beta0, W1, b1, gamma1, beta1,
                      W2, b2, gamma2, beta2, Wo, bo))

# --- scband reference (transcript-rebuilt; emitter-appended) ---
"""Pipeline reference for scband-neural-cf-29068338659490 (READ-ONLY COPY).

The authoritative reference and input builder live on the scoring server;
editing this copy changes nothing except your own understanding.
"""

import jax, jax.numpy as jnp
import numpy as np

N_USERS = 1_000_000
N_ITEMS = 1_000_000
D = 64
B = 16384
HID = [128, 64, 32]


def _xavier(key, fan_in, fan_out):
    limit = np.sqrt(6.0 / (fan_in + fan_out))
    return jax.random.uniform(key, (fan_in, fan_out), minval=-limit, maxval=limit, dtype=jnp.float32)


def setup_inputs(seed: int = 0) -> dict:
    key = jax.random.key(seed)
    ks = jax.random.split(key, 16)
    inp = {}
    inp["user_ids"] = jax.random.randint(ks[0], (B,), 0, N_USERS, dtype=jnp.int64 if jax.config.read('jax_enable_x64') else jnp.int32)
    inp["item_ids"] = jax.random.randint(ks[1], (B,), 0, N_ITEMS, dtype=jnp.int64 if jax.config.read('jax_enable_x64') else jnp.int32)
    inp["user_table"] = (jax.random.normal(ks[2], (N_USERS, D), dtype=jnp.float32) * 0.01)
    inp["item_table"] = (jax.random.normal(ks[3], (N_ITEMS, D), dtype=jnp.float32) * 0.01)
    dims = [2 * D] + HID
    for i in range(len(HID)):
        inp[f"W{i}"] = _xavier(ks[4 + i], dims[i], dims[i + 1])
        inp[f"b{i}"] = jnp.zeros((dims[i + 1],), dtype=jnp.float32)
        inp[f"gamma{i}"] = jnp.ones((dims[i + 1],), dtype=jnp.float32)
        inp[f"beta{i}"] = jnp.zeros((dims[i + 1],), dtype=jnp.float32)
    inp["Wo"] = _xavier(ks[10], HID[-1], 1)
    inp["bo"] = jnp.zeros((1,), dtype=jnp.float32)
    return inp


def reference(user_ids, item_ids, user_table, item_table,
              W0, b0, gamma0, beta0,
              W1, b1, gamma1, beta1,
              W2, b2, gamma2, beta2,
              Wo, bo):
    # Embedding lookups (SparseCore-style gathers)
    ue = jnp.take(user_table, user_ids, axis=0)
    ie = jnp.take(item_table, item_ids, axis=0)
    x = jnp.concatenate([ue, ie], axis=1)
    eps = 1e-5
    for W, b, g, bt in ((W0, b0, gamma0, beta0), (W1, b1, gamma1, beta1), (W2, b2, gamma2, beta2)):
        x = x @ W + b
        x = jax.nn.relu(x)
        # Dropout: identity (eval mode)
        # BatchNorm1d eval mode: running_mean=0, running_var=1
        x = g * (x / jnp.sqrt(1.0 + eps)) + bt
    out = jax.nn.sigmoid(x @ Wo + bo)
    return out.squeeze()

if __name__ == "__main__":
    import jax
    _d = setup_inputs()
    print(jax.jit(kernel)(*tuple(_d.values())))

</pallas_src>

<mosaic_0001>
#map = affine_map<(d0, d1) -> (0, 0, 0)>
#map1 = affine_map<(d0, d1) -> (0, 0)>
module attributes {stable_mosaic.version = 14 : i64} {
  func.func @_sc_gather(%arg0: i32, %arg1: i32, %arg2: memref<32x4x128xi32, #tpu.memory_space<hbm>>, %arg3: memref<32x4x128xi32, #tpu.memory_space<hbm>>, %arg4: memref<499712x128xf32, #tpu.memory_space<hbm>>, %arg5: memref<499712x128xf32, #tpu.memory_space<hbm>>, %arg6: memref<16384x128xf32, #tpu.memory_space<hbm>>, %arg7: memref<16384x128xf32, #tpu.memory_space<hbm>>, %arg8: memref<4x128xi32, #tpu.memory_space<vmem>>, %arg9: memref<4x128xi32, #tpu.memory_space<vmem>>, %arg10: memref<512x128xf32, #tpu.memory_space<vmem>>, %arg11: memref<!tpu.dma_semaphore, #tpu.memory_space<semaphore_mem>>) attributes {dimension_semantics = [#tpu.dimension_semantics<core_parallel>, #tpu.dimension_semantics<subcore_parallel>], iteration_bounds = array<i64: 2, 16>, scalar_prefetch = 0 : i64, scratch_operands = 4 : i64, tpu.core_type = #tpu.core_type<sc_vector_subcore>, window_params = [{transform_indices = #map}, {transform_indices = #map}, {transform_indices = #map1}, {transform_indices = #map1}, {transform_indices = #map1}, {transform_indices = #map1}]} {
    %mul3A = arith.constant 2 : i32
    %mul3A_0 = arith.muli %arg1, %mul3A : i32
    %add3A = arith.addi %mul3A_0, %arg0 : i32
    %mul3A_1 = arith.constant 512 : i32
    %mul3A_2 = arith.muli %add3A, %mul3A_1 : i32
    "tpu.region"() ({
      %run_scoped3A = tpu.sem_alloc : memref<!tpu.dma_semaphore, #tpu.memory_space<semaphore_mem>>
      %dma_start3A_161 = arith.constant 0 : i32
      %dma_start3A_162 = arith.constant 0 : i32
      %dma_start3A_163 = tpu.memref_slice %arg2[%add3A, %dma_start3A_161, %dma_start3A_162] : memref<32x4x128xi32, #tpu.memory_space<hbm>> -> memref<1x4x128xi32, #tpu.memory_space<hbm>>
      %dma_start3A_164 = tpu.memref_squeeze %dma_start3A_163 : memref<1x4x128xi32, #tpu.memory_space<hbm>> -> memref<4x128xi32, #tpu.memory_space<hbm>>
      %dma_start3A_165 = arith.constant 0 : i32
      %dma_start3A_166 = arith.constant 0 : i32
      %dma_start3A_167 = tpu.memref_slice %arg2[%add3A, %dma_start3A_165, %dma_start3A_166] : memref<32x4x128xi32, #tpu.memory_space<hbm>> -> memref<1x4x128xi32, #tpu.memory_space<hbm>>
      %dma_start3A_168 = tpu.memref_squeeze %dma_start3A_167 : memref<1x4x128xi32, #tpu.memory_space<hbm>> -> memref<4x128xi32, #tpu.memory_space<hbm>>
      tpu.enqueue_dma source(%dma_start3A_168 : memref<4x128xi32, #tpu.memory_space<hbm>>) target(%arg8 : memref<4x128xi32, #tpu.memory_space<vmem>>) target_semaphore(%run_scoped3A : memref<!tpu.dma_semaphore, #tpu.memory_space<semaphore_mem>>)
      %dma_wait3A_169 = arith.constant 0 : i32
      %dma_wait3A_170 = arith.constant 0 : i32
      %dma_wait3A_171 = tpu.memref_slice %arg2[%add3A, %dma_wait3A_169, %dma_wait3A_170] : memref<32x4x128xi32, #tpu.memory_space<hbm>> -> memref<1x4x128xi32, #tpu.memory_space<hbm>>
      %dma_wait3A_172 = tpu.memref_squeeze %dma_wait3A_171 : memref<1x4x128xi32, #tpu.memory_space<hbm>> -> memref<4x128xi32, #tpu.memory_space<hbm>>
      %dma_wait3A_173 = arith.constant 0 : i32
      %dma_wait3A_174 = arith.constant 0 : i32
      %dma_wait3A_175 = tpu.memref_slice %arg2[%add3A, %dma_wait3A_173, %dma_wait3A_174] : memref<32x4x128xi32, #tpu.memory_space<hbm>> -> memref<1x4x128xi32, #tpu.memory_space<hbm>>
      %dma_wait3A_176 = tpu.memref_squeeze %dma_wait3A_175 : memref<1x4x128xi32, #tpu.memory_space<hbm>> -> memref<4x128xi32, #tpu.memory_space<hbm>>
      tpu.wait_dma2 semaphore(%run_scoped3A : memref<!tpu.dma_semaphore, #tpu.memory_space<semaphore_mem>>) src(%dma_wait3A_176 : memref<4x128xi32, #tpu.memory_space<hbm>>) dst(%arg8 : memref<4x128xi32, #tpu.memory_space<vmem>>)
      tpu.yield
    }) : () -> ()
    "tpu.region"() ({
      %run_scoped3A = tpu.sem_alloc : memref<!tpu.dma_semaphore, #tpu.memory_space<semaphore_mem>>
      %dma_start3A_161 = arith.constant 0 : i32
      %dma_start3A_162 = arith.constant 0 : i32
      %dma_start3A_163 = tpu.memref_slice %arg3[%add3A, %dma_start3A_161, %dma_start3A_162] : memref<32x4x128xi32, #tpu.memory_space<hbm>> -> memref<1x4x128xi32, #tpu.memory_space<hbm>>
      %dma_start3A_164 = tpu.memref_squeeze %dma_start3A_163 : memref<1x4x128xi32, #tpu.memory_space<hbm>> -> memref<4x128xi32, #tpu.memory_space<hbm>>
      %dma_start3A_165 = arith.constant 0 : i32
      %dma_start3A_166 = arith.constant 0 : i32
      %dma_start3A_167 = tpu.memref_slice %arg3[%add3A, %dma_start3A_165, %dma_start3A_166] : memref<32x4x128xi32, #tpu.memory_space<hbm>> -> memref<1x4x128xi32, #tpu.memory_space<hbm>>
      %dma_start3A_168 = tpu.memref_squeeze %dma_start3A_167 : memref<1x4x128xi32, #tpu.memory_space<hbm>> -> memref<4x128xi32, #tpu.memory_space<hbm>>
      tpu.enqueue_dma source(%dma_start3A_168 : memref<4x128xi32, #tpu.memory_space<hbm>>) target(%arg9 : memref<4x128xi32, #tpu.memory_space<vmem>>) target_semaphore(%run_scoped3A : memref<!tpu.dma_semaphore, #tpu.memory_space<semaphore_mem>>)
      %dma_wait3A_169 = arith.constant 0 : i32
      %dma_wait3A_170 = arith.constant 0 : i32
      %dma_wait3A_171 = tpu.memref_slice %arg3[%add3A, %dma_wait3A_169, %dma_wait3A_170] : memref<32x4x128xi32, #tpu.memory_space<hbm>> -> memref<1x4x128xi32, #tpu.memory_space<hbm>>
      %dma_wait3A_172 = tpu.memref_squeeze %dma_wait3A_171 : memref<1x4x128xi32, #tpu.memory_space<hbm>> -> memref<4x128xi32, #tpu.memory_space<hbm>>
      %dma_wait3A_173 = arith.constant 0 : i32
      %dma_wait3A_174 = arith.constant 0 : i32
      %dma_wait3A_175 = tpu.memref_slice %arg3[%add3A, %dma_wait3A_173, %dma_wait3A_174] : memref<32x4x128xi32, #tpu.memory_space<hbm>> -> memref<1x4x128xi32, #tpu.memory_space<hbm>>
      %dma_wait3A_176 = tpu.memref_squeeze %dma_wait3A_175 : memref<1x4x128xi32, #tpu.memory_space<hbm>> -> memref<4x128xi32, #tpu.memory_space<hbm>>
      tpu.wait_dma2 semaphore(%run_scoped3A : memref<!tpu.dma_semaphore, #tpu.memory_space<semaphore_mem>>) src(%dma_wait3A_176 : memref<4x128xi32, #tpu.memory_space<hbm>>) dst(%arg9 : memref<4x128xi32, #tpu.memory_space<vmem>>)
      tpu.yield
    }) : () -> ()
    %dma_start3A = arith.constant 0 : i32
    %dma_start3A_3 = arith.constant 0 : i32
    %dma_start3A_4 = arith.constant 0 : i32
    %dma_start3A_5 = tpu.memref_slice %arg10[%dma_start3A_3, %dma_start3A_4] : memref<512x128xf32, #tpu.memory_space<vmem>> -> memref<128x128xf32, #tpu.memory_space<vmem>>
    %dma_start3A_6 = arith.constant 0 : i32
    %dma_start3A_7 = tpu.memref_slice %arg8[%dma_start3A, %dma_start3A_6] : memref<4x128xi32, #tpu.memory_space<vmem>> -> memref<1x128xi32, #tpu.memory_space<vmem>>
    %dma_start3A_8 = tpu.memref_squeeze %dma_start3A_7 : memref<1x128xi32, #tpu.memory_space<vmem>> -> memref<128xi32, #tpu.memory_space<vmem>>
    %dma_start3A_9 = arith.constant 0 : i32
    %dma_start3A_10 = arith.constant 0 : i32
    %dma_start3A_11 = tpu.memref_slice %arg4[%dma_start3A_9, %dma_start3A_10] : memref<499712x128xf32, #tpu.memory_space<hbm>> -> memref<499712x128xf32, #tpu.memory_space<hbm>>
    tpu.enqueue_indirect_dma source(%dma_start3A_11 : memref<499712x128xf32, #tpu.memory_space<hbm>>) target(%dma_start3A_5 : memref<128x128xf32, #tpu.memory_space<vmem>>) offsets(%dma_start3A_8 : memref<128xi32, #tpu.memory_space<vmem>>) semaphore(%arg11 : memref<!tpu.dma_semaphore, #tpu.memory_space<semaphore_mem>>)
    %dma_start3A_12 = arith.constant 1 : i32
    %dma_start3A_13 = arith.constant 128 : i32
    %dma_start3A_14 = arith.constant 0 : i32
    %dma_start3A_15 = tpu.memref_slice %arg10[%dma_start3A_13, %dma_start3A_14] : memref<512x128xf32, #tpu.memory_space<vmem>> -> memref<128x128xf32, #tpu.memory_space<vmem>>
    %dma_start3A_16 = arith.constant 0 : i32
    %dma_start3A_17 = tpu.memref_slice %arg8[%dma_start3A_12, %dma_start3A_16] : memref<4x128xi32, #tpu.memory_space<vmem>> -> memref<1x128xi32, #tpu.memory_space<vmem>>
    %dma_start3A_18 = tpu.memref_squeeze %dma_start3A_17 : memref<1x128xi32, #tpu.memory_space<vmem>> -> memref<128xi32, #tpu.memory_space<vmem>>
    %dma_start3A_19 = arith.constant 0 : i32
    %dma_start3A_20 = arith.constant 0 : i32
    %dma_start3A_21 = tpu.memref_slice %arg4[%dma_start3A_19, %dma_start3A_20] : memref<499712x128xf32, #tpu.memory_space<hbm>> -> memref<499712x128xf32, #tpu.memory_space<hbm>>
    tpu.enqueue_indirect_dma source(%dma_start3A_21 : memref<499712x128xf32, #tpu.memory_space<hbm>>) target(%dma_start3A_15 : memref<128x128xf32, #tpu.memory_space<vmem>>) offsets(%dma_start3A_18 : memref<128xi32, #tpu.memory_space<vmem>>) semaphore(%arg11 : memref<!tpu.dma_semaphore, #tpu.memory_space<semaphore_mem>>)
    %dma_start3A_22 = arith.constant 2 : i32
    %dma_start3A_23 = arith.constant 256 : i32
    %dma_start3A_24 = arith.constant 0 : i32
    %dma_start3A_25 = tpu.memref_slice %arg10[%dma_start3A_23, %dma_start3A_24] : memref<512x128xf32, #tpu.memory_space<vmem>> -> memref<128x128xf32, #tpu.memory_space<vmem>>
    %dma_start3A_26 = arith.constant 0 : i32
    %dma_start3A_27 = tpu.memref_slice %arg8[%dma_start3A_22, %dma_start3A_26] : memref<4x128xi32, #tpu.memory_space<vmem>> -> memref<1x128xi32, #tpu.memory_space<vmem>>
    %dma_start3A_28 = tpu.memref_squeeze %dma_start3A_27 : memref<1x128xi32, #tpu.memory_space<vmem>> -> memref<128xi32, #tpu.memory_space<vmem>>
    %dma_start3A_29 = arith.constant 0 : i32
    %dma_start3A_30 = arith.constant 0 : i32
    %dma_start3A_31 = tpu.memref_slice %arg4[%dma_start3A_29, %dma_start3A_30] : memref<499712x128xf32, #tpu.memory_space<hbm>> -> memref<499712x128xf32, #tpu.memory_space<hbm>>
    tpu.enqueue_indirect_dma source(%dma_start3A_31 : memref<499712x128xf32, #tpu.memory_space<hbm>>) target(%dma_start3A_25 : memref<128x128xf32, #tpu.memory_space<vmem>>) offsets(%dma_start3A_28 : memref<128xi32, #tpu.memory_space<vmem>>) semaphore(%arg11 : memref<!tpu.dma_semaphore, #tpu.memory_space<semaphore_mem>>)
    %dma_start3A_32 = arith.constant 3 : i32
    %dma_start3A_33 = arith.constant 384 : i32
    %dma_start3A_34 = arith.constant 0 : i32
    %dma_start3A_35 = tpu.memref_slice %arg10[%dma_start3A_33, %dma_start3A_34] : memref<512x128xf32, #tpu.memory_space<vmem>> -> memref<128x128xf32, #tpu.memory_space<vmem>>
    %dma_start3A_36 = arith.constant 0 : i32
    %dma_start3A_37 = tpu.memref_slice %arg8[%dma_start3A_32, %dma_start3A_36] : memref<4x128xi32, #tpu.memory_space<vmem>> -> memref<1x128xi32, #tpu.memory_space<vmem>>
    %dma_start3A_38 = tpu.memref_squeeze %dma_start3A_37 : memref<1x128xi32, #tpu.memory_space<vmem>> -> memref<128xi32, #tpu.memory_space<vmem>>
    %dma_start3A_39 = arith.constant 0 : i32
    %dma_start3A_40 = arith.constant 0 : i32
    %dma_start3A_41 = tpu.memref_slice %arg4[%dma_start3A_39, %dma_start3A_40] : memref<499712x128xf32, #tpu.memory_space<hbm>> -> memref<499712x128xf32, #tpu.memory_space<hbm>>
    tpu.enqueue_indirect_dma source(%dma_start3A_41 : memref<499712x128xf32, #tpu.memory_space<hbm>>) target(%dma_start3A_35 : memref<128x128xf32, #tpu.memory_space<vmem>>) offsets(%dma_start3A_38 : memref<128xi32, #tpu.memory_space<vmem>>) semaphore(%arg11 : memref<!tpu.dma_semaphore, #tpu.memory_space<semaphore_mem>>)
    %dma_wait3A = arith.constant 0 : i32
    %dma_wait3A_42 = arith.constant 0 : i32
    %dma_wait3A_43 = arith.constant 0 : i32
    %dma_wait3A_44 = tpu.memref_slice %arg10[%dma_wait3A_42, %dma_wait3A_43] : memref<512x128xf32, #tpu.memory_space<vmem>> -> memref<128x128xf32, #tpu.memory_space<vmem>>
    %dma_wait3A_45 = arith.constant 0 : i32
    %dma_wait3A_46 = tpu.memref_slice %arg8[%dma_wait3A, %dma_wait3A_45] : memref<4x128xi32, #tpu.memory_space<vmem>> -> memref<1x128xi32, #tpu.memory_space<vmem>>
    %dma_wait3A_47 = tpu.memref_squeeze %dma_wait3A_46 : memref<1x128xi32, #tpu.memory_space<vmem>> -> memref<128xi32, #tpu.memory_space<vmem>>
    %dma_wait3A_48 = arith.constant 0 : i32
    %dma_wait3A_49 = arith.constant 0 : i32
    %dma_wait3A_50 = tpu.memref_slice %arg4[%dma_wait3A_48, %dma_wait3A_49] : memref<499712x128xf32, #tpu.memory_space<hbm>> -> memref<499712x128xf32, #tpu.memory_space<hbm>>
    tpu.wait_indirect_dma semaphore(%arg11 : memref<!tpu.dma_semaphore, #tpu.memory_space<semaphore_mem>>) src(%dma_wait3A_50 : memref<499712x128xf32, #tpu.memory_space<hbm>>) dst(%dma_wait3A_44 : memref<128x128xf32, #tpu.memory_space<vmem>>)
    %dma_wait3A_51 = arith.constant 1 : i32
    %dma_wait3A_52 = arith.constant 128 : i32
    %dma_wait3A_53 = arith.constant 0 : i32
    %dma_wait3A_54 = tpu.memref_slice %arg10[%dma_wait3A_52, %dma_wait3A_53] : memref<512x128xf32, #tpu.memory_space<vmem>> -> memref<128x128xf32, #tpu.memory_space<vmem>>
    %dma_wait3A_55 = arith.constant 0 : i32
    %dma_wait3A_56 = tpu.memref_slice %arg8[%dma_wait3A_51, %dma_wait3A_55] : memref<4x128xi32, #tpu.memory_space<vmem>> -> memref<1x128xi32, #tpu.memory_space<vmem>>
    %dma_wait3A_57 = tpu.memref_squeeze %dma_wait3A_56 : memref<1x128xi32, #tpu.memory_space<vmem>> -> memref<128xi32, #tpu.memory_space<vmem>>
    %dma_wait3A_58 = arith.constant 0 : i32
    %dma_wait3A_59 = arith.constant 0 : i32
    %dma_wait3A_60 = tpu.memref_slice %arg4[%dma_wait3A_58, %dma_wait3A_59] : memref<499712x128xf32, #tpu.memory_space<hbm>> -> memref<499712x128xf32, #tpu.memory_space<hbm>>
    tpu.wait_indirect_dma semaphore(%arg11 : memref<!tpu.dma_semaphore, #tpu.memory_space<semaphore_mem>>) src(%dma_wait3A_60 : memref<499712x128xf32, #tpu.memory_space<hbm>>) dst(%dma_wait3A_54 : memref<128x128xf32, #tpu.memory_space<vmem>>)
    %dma_wait3A_61 = arith.constant 2 : i32
    %dma_wait3A_62 = arith.constant 256 : i32
    %dma_wait3A_63 = arith.constant 0 : i32
    %dma_wait3A_64 = tpu.memref_slice %arg10[%dma_wait3A_62, %dma_wait3A_63] : memref<512x128xf32, #tpu.memory_space<vmem>> -> memref<128x128xf32, #tpu.memory_space<vmem>>
    %dma_wait3A_65 = arith.constant 0 : i32
    %dma_wait3A_66 = tpu.memref_slice %arg8[%dma_wait3A_61, %dma_wait3A_65] : memref<4x128xi32, #tpu.memory_space<vmem>> -> memref<1x128xi32, #tpu.memory_space<vmem>>
    %dma_wait3A_67 = tpu.memref_squeeze %dma_wait3A_66 : memref<1x128xi32, #tpu.memory_space<vmem>> -> memref<128xi32, #tpu.memory_space<vmem>>
    %dma_wait3A_68 = arith.constant 0 : i32
    %dma_wait3A_69 = arith.constant 0 : i32
    %dma_wait3A_70 = tpu.memref_slice %arg4[%dma_wait3A_68, %dma_wait3A_69] : memref<499712x128xf32, #tpu.memory_space<hbm>> -> memref<499712x128xf32, #tpu.memory_space<hbm>>
    tpu.wait_indirect_dma semaphore(%arg11 : memref<!tpu.dma_semaphore, #tpu.memory_space<semaphore_mem>>) src(%dma_wait3A_70 : memref<499712x128xf32, #tpu.memory_space<hbm>>) dst(%dma_wait3A_64 : memref<128x128xf32, #tpu.memory_space<vmem>>)
    %dma_wait3A_71 = arith.constant 3 : i32
    %dma_wait3A_72 = arith.constant 384 : i32
    %dma_wait3A_73 = arith.constant 0 : i32
    %dma_wait3A_74 = tpu.memref_slice %arg10[%dma_wait3A_72, %dma_wait3A_73] : memref<512x128xf32, #tpu.memory_space<vmem>> -> memref<128x128xf32, #tpu.memory_space<vmem>>
    %dma_wait3A_75 = arith.constant 0 : i32
    %dma_wait3A_76 = tpu.memref_slice %arg8[%dma_wait3A_71, %dma_wait3A_75] : memref<4x128xi32, #tpu.memory_space<vmem>> -> memref<1x128xi32, #tpu.memory_space<vmem>>
    %dma_wait3A_77 = tpu.memref_squeeze %dma_wait3A_76 : memref<1x128xi32, #tpu.memory_space<vmem>> -> memref<128xi32, #tpu.memory_space<vmem>>
    %dma_wait3A_78 = arith.constant 0 : i32
    %dma_wait3A_79 = arith.constant 0 : i32
    %dma_wait3A_80 = tpu.memref_slice %arg4[%dma_wait3A_78, %dma_wait3A_79] : memref<499712x128xf32, #tpu.memory_space<hbm>> -> memref<499712x128xf32, #tpu.memory_space<hbm>>
    tpu.wait_indirect_dma semaphore(%arg11 : memref<!tpu.dma_semaphore, #tpu.memory_space<semaphore_mem>>) src(%dma_wait3A_80 : memref<499712x128xf32, #tpu.memory_space<hbm>>) dst(%dma_wait3A_74 : memref<128x128xf32, #tpu.memory_space<vmem>>)
    "tpu.region"() ({
      %run_scoped3A = tpu.sem_alloc : memref<!tpu.dma_semaphore, #tpu.memory_space<semaphore_mem>>
      %dma_start3A_161 = arith.constant 0 : i32
      %dma_start3A_162 = tpu.memref_slice %arg6[%mul3A_2, %dma_start3A_161] : memref<16384x128xf32, #tpu.memory_space<hbm>> -> memref<512x128xf32, #tpu.memory_space<hbm>>
      %dma_start3A_163 = arith.constant 0 : i32
      %dma_start3A_164 = tpu.memref_slice %arg6[%mul3A_2, %dma_start3A_163] : memref<16384x128xf32, #tpu.memory_space<hbm>> -> memref<512x128xf32, #tpu.memory_space<hbm>>
      tpu.enqueue_dma source(%arg10 : memref<512x128xf32, #tpu.memory_space<vmem>>) target(%dma_start3A_164 : memref<512x128xf32, #tpu.memory_space<hbm>>) target_semaphore(%run_scoped3A : memref<!tpu.dma_semaphore, #tpu.memory_space<semaphore_mem>>)
      %dma_wait3A_165 = arith.constant 0 : i32
      %dma_wait3A_166 = tpu.memref_slice %arg6[%mul3A_2, %dma_wait3A_165] : memref<16384x128xf32, #tpu.memory_space<hbm>> -> memref<512x128xf32, #tpu.memory_space<hbm>>
      %dma_wait3A_167 = arith.constant 0 : i32
      %dma_wait3A_168 = tpu.memref_slice %arg6[%mul3A_2, %dma_wait3A_167] : memref<16384x128xf32, #tpu.memory_space<hbm>> -> memref<512x128xf32, #tpu.memory_space<hbm>>
      tpu.wait_dma2 semaphore(%run_scoped3A : memref<!tpu.dma_semaphore, #tpu.memory_space<semaphore_mem>>) src(%arg10 : memref<512x128xf32, #tpu.memory_space<vmem>>) dst(%dma_wait3A_168 : memref<512x128xf32, #tpu.memory_space<hbm>>)
      tpu.yield
    }) : () -> ()
    %dma_start3A_81 = arith.constant 0 : i32
    %dma_start3A_82 = arith.constant 0 : i32
    %dma_start3A_83 = arith.constant 0 : i32
    %dma_start3A_84 = tpu.memref_slice %arg10[%dma_start3A_82, %dma_start3A_83] : memref<512x128xf32, #tpu.memory_space<vmem>> -> memref<128x128xf32, #tpu.memory_space<vmem>>
    %dma_start3A_85 = arith.constant 0 : i32
    %dma_start3A_86 = tpu.memref_slice %arg9[%dma_start3A_81, %dma_start3A_85] : memref<4x128xi32, #tpu.memory_space<vmem>> -> memref<1x128xi32, #tpu.memory_space<vmem>>
    %dma_start3A_87 = tpu.memref_squeeze %dma_start3A_86 : memref<1x128xi32, #tpu.memory_space<vmem>> -> memref<128xi32, #tpu.memory_space<vmem>>
    %dma_start3A_88 = arith.constant 0 : i32
    %dma_start3A_89 = arith.constant 0 : i32
    %dma_start3A_90 = tpu.memref_slice %arg5[%dma_start3A_88, %dma_start3A_89] : memref<499712x128xf32, #tpu.memory_space<hbm>> -> memref<499712x128xf32, #tpu.memory_space<hbm>>
    tpu.enqueue_indirect_dma source(%dma_start3A_90 : memref<499712x128xf32, #tpu.memory_space<hbm>>) target(%dma_start3A_84 : memref<128x128xf32, #tpu.memory_space<vmem>>) offsets(%dma_start3A_87 : memref<128xi32, #tpu.memory_space<vmem>>) semaphore(%arg11 : memref<!tpu.dma_semaphore, #tpu.memory_space<semaphore_mem>>)
    %dma_start3A_91 = arith.constant 1 : i32
    %dma_start3A_92 = arith.constant 128 : i32
    %dma_start3A_93 = arith.constant 0 : i32
    %dma_start3A_94 = tpu.memref_slice %arg10[%dma_start3A_92, %dma_start3A_93] : memref<512x128xf32, #tpu.memory_space<vmem>> -> memref<128x128xf32, #tpu.memory_space<vmem>>
    %dma_start3A_95 = arith.constant 0 : i32
    %dma_start3A_96 = tpu.memref_slice %arg9[%dma_start3A_91, %dma_start3A_95] : memref<4x128xi32, #tpu.memory_space<vmem>> -> memref<1x128xi32, #tpu.memory_space<vmem>>
    %dma_start3A_97 = tpu.memref_squeeze %dma_start3A_96 : memref<1x128xi32, #tpu.memory_space<vmem>> -> memref<128xi32, #tpu.memory_space<vmem>>
    %dma_start3A_98 = arith.constant 0 : i32
    %dma_start3A_99 = arith.constant 0 : i32
    %dma_start3A_100 = tpu.memref_slice %arg5[%dma_start3A_98, %dma_start3A_99] : memref<499712x128xf32, #tpu.memory_space<hbm>> -> memref<499712x128xf32, #tpu.memory_space<hbm>>
    tpu.enqueue_indirect_dma source(%dma_start3A_100 : memref<499712x128xf32, #tpu.memory_space<hbm>>) target(%dma_start3A_94 : memref<128x128xf32, #tpu.memory_space<vmem>>) offsets(%dma_start3A_97 : memref<128xi32, #tpu.memory_space<vmem>>) semaphore(%arg11 : memref<!tpu.dma_semaphore, #tpu.memory_space<semaphore_mem>>)
    %dma_start3A_101 = arith.constant 2 : i32
    %dma_start3A_102 = arith.constant 256 : i32
    %dma_start3A_103 = arith.constant 0 : i32
    %dma_start3A_104 = tpu.memref_slice %arg10[%dma_start3A_102, %dma_start3A_103] : memref<512x128xf32, #tpu.memory_space<vmem>> -> memref<128x128xf32, #tpu.memory_space<vmem>>
    %dma_start3A_105 = arith.constant 0 : i32
    %dma_start3A_106 = tpu.memref_slice %arg9[%dma_start3A_101, %dma_start3A_105] : memref<4x128xi32, #tpu.memory_space<vmem>> -> memref<1x128xi32, #tpu.memory_space<vmem>>
    %dma_start3A_107 = tpu.memref_squeeze %dma_start3A_106 : memref<1x128xi32, #tpu.memory_space<vmem>> -> memref<128xi32, #tpu.memory_space<vmem>>
    %dma_start3A_108 = arith.constant 0 : i32
    %dma_start3A_109 = arith.constant 0 : i32
    %dma_start3A_110 = tpu.memref_slice %arg5[%dma_start3A_108, %dma_start3A_109] : memref<499712x128xf32, #tpu.memory_space<hbm>> -> memref<499712x128xf32, #tpu.memory_space<hbm>>
    tpu.enqueue_indirect_dma source(%dma_start3A_110 : memref<499712x128xf32, #tpu.memory_space<hbm>>) target(%dma_start3A_104 : memref<128x128xf32, #tpu.memory_space<vmem>>) offsets(%dma_start3A_107 : memref<128xi32, #tpu.memory_space<vmem>>) semaphore(%arg11 : memref<!tpu.dma_semaphore, #tpu.memory_space<semaphore_mem>>)
    %dma_start3A_111 = arith.constant 3 : i32
    %dma_start3A_112 = arith.constant 384 : i32
    %dma_start3A_113 = arith.constant 0 : i32
    %dma_start3A_114 = tpu.memref_slice %arg10[%dma_start3A_112, %dma_start3A_113] : memref<512x128xf32, #tpu.memory_space<vmem>> -> memref<128x128xf32, #tpu.memory_space<vmem>>
    %dma_start3A_115 = arith.constant 0 : i32
    %dma_start3A_116 = tpu.memref_slice %arg9[%dma_start3A_111, %dma_start3A_115] : memref<4x128xi32, #tpu.memory_space<vmem>> -> memref<1x128xi32, #tpu.memory_space<vmem>>
    %dma_start3A_117 = tpu.memref_squeeze %dma_start3A_116 : memref<1x128xi32, #tpu.memory_space<vmem>> -> memref<128xi32, #tpu.memory_space<vmem>>
    %dma_start3A_118 = arith.constant 0 : i32
    %dma_start3A_119 = arith.constant 0 : i32
    %dma_start3A_120 = tpu.memref_slice %arg5[%dma_start3A_118, %dma_start3A_119] : memref<499712x128xf32, #tpu.memory_space<hbm>> -> memref<499712x128xf32, #tpu.memory_space<hbm>>
    tpu.enqueue_indirect_dma source(%dma_start3A_120 : memref<499712x128xf32, #tpu.memory_space<hbm>>) target(%dma_start3A_114 : memref<128x128xf32, #tpu.memory_space<vmem>>) offsets(%dma_start3A_117 : memref<128xi32, #tpu.memory_space<vmem>>) semaphore(%arg11 : memref<!tpu.dma_semaphore, #tpu.memory_space<semaphore_mem>>)
    %dma_wait3A_121 = arith.constant 0 : i32
    %dma_wait3A_122 = arith.constant 0 : i32
    %dma_wait3A_123 = arith.constant 0 : i32
    %dma_wait3A_124 = tpu.memref_slice %arg10[%dma_wait3A_122, %dma_wait3A_123] : memref<512x128xf32, #tpu.memory_space<vmem>> -> memref<128x128xf32, #tpu.memory_space<vmem>>
    %dma_wait3A_125 = arith.constant 0 : i32
    %dma_wait3A_126 = tpu.memref_slice %arg9[%dma_wait3A_121, %dma_wait3A_125] : memref<4x128xi32, #tpu.memory_space<vmem>> -> memref<1x128xi32, #tpu.memory_space<vmem>>
    %dma_wait3A_127 = tpu.memref_squeeze %dma_wait3A_126 : memref<1x128xi32, #tpu.memory_space<vmem>> -> memref<128xi32, #tpu.memory_space<vmem>>
    %dma_wait3A_128 = arith.constant 0 : i32
    %dma_wait3A_129 = arith.constant 0 : i32
    %dma_wait3A_130 = tpu.memref_slice %arg5[%dma_wait3A_128, %dma_wait3A_129] : memref<499712x128xf32, #tpu.memory_space<hbm>> -> memref<499712x128xf32, #tpu.memory_space<hbm>>
    tpu.wait_indirect_dma semaphore(%arg11 : memref<!tpu.dma_semaphore, #tpu.memory_space<semaphore_mem>>) src(%dma_wait3A_130 : memref<499712x128xf32, #tpu.memory_space<hbm>>) dst(%dma_wait3A_124 : memref<128x128xf32, #tpu.memory_space<vmem>>)
    %dma_wait3A_131 = arith.constant 1 : i32
    %dma_wait3A_132 = arith.constant 128 : i32
    %dma_wait3A_133 = arith.constant 0 : i32
    %dma_wait3A_134 = tpu.memref_slice %arg10[%dma_wait3A_132, %dma_wait3A_133] : memref<512x128xf32, #tpu.memory_space<vmem>> -> memref<128x128xf32, #tpu.memory_space<vmem>>
    %dma_wait3A_135 = arith.constant 0 : i32
    %dma_wait3A_136 = tpu.memref_slice %arg9[%dma_wait3A_131, %dma_wait3A_135] : memref<4x128xi32, #tpu.memory_space<vmem>> -> memref<1x128xi32, #tpu.memory_space<vmem>>
    %dma_wait3A_137 = tpu.memref_squeeze %dma_wait3A_136 : memref<1x128xi32, #tpu.memory_space<vmem>> -> memref<128xi32, #tpu.memory_space<vmem>>
    %dma_wait3A_138 = arith.constant 0 : i32
    %dma_wait3A_139 = arith.constant 0 : i32
    %dma_wait3A_140 = tpu.memref_slice %arg5[%dma_wait3A_138, %dma_wait3A_139] : memref<499712x128xf32, #tpu.memory_space<hbm>> -> memref<499712x128xf32, #tpu.memory_space<hbm>>
    tpu.wait_indirect_dma semaphore(%arg11 : memref<!tpu.dma_semaphore, #tpu.memory_space<semaphore_mem>>) src(%dma_wait3A_140 : memref<499712x128xf32, #tpu.memory_space<hbm>>) dst(%dma_wait3A_134 : memref<128x128xf32, #tpu.memory_space<vmem>>)
    %dma_wait3A_141 = arith.constant 2 : i32
    %dma_wait3A_142 = arith.constant 256 : i32
    %dma_wait3A_143 = arith.constant 0 : i32
    %dma_wait3A_144 = tpu.memref_slice %arg10[%dma_wait3A_142, %dma_wait3A_143] : memref<512x128xf32, #tpu.memory_space<vmem>> -> memref<128x128xf32, #tpu.memory_space<vmem>>
    %dma_wait3A_145 = arith.constant 0 : i32
    %dma_wait3A_146 = tpu.memref_slice %arg9[%dma_wait3A_141, %dma_wait3A_145] : memref<4x128xi32, #tpu.memory_space<vmem>> -> memref<1x128xi32, #tpu.memory_space<vmem>>
    %dma_wait3A_147 = tpu.memref_squeeze %dma_wait3A_146 : memref<1x128xi32, #tpu.memory_space<vmem>> -> memref<128xi32, #tpu.memory_space<vmem>>
    %dma_wait3A_148 = arith.constant 0 : i32
    %dma_wait3A_149 = arith.constant 0 : i32
    %dma_wait3A_150 = tpu.memref_slice %arg5[%dma_wait3A_148, %dma_wait3A_149] : memref<499712x128xf32, #tpu.memory_space<hbm>> -> memref<499712x128xf32, #tpu.memory_space<hbm>>
    tpu.wait_indirect_dma semaphore(%arg11 : memref<!tpu.dma_semaphore, #tpu.memory_space<semaphore_mem>>) src(%dma_wait3A_150 : memref<499712x128xf32, #tpu.memory_space<hbm>>) dst(%dma_wait3A_144 : memref<128x128xf32, #tpu.memory_space<vmem>>)
    %dma_wait3A_151 = arith.constant 3 : i32
    %dma_wait3A_152 = arith.constant 384 : i32
    %dma_wait3A_153 = arith.constant 0 : i32
    %dma_wait3A_154 = tpu.memref_slice %arg10[%dma_wait3A_152, %dma_wait3A_153] : memref<512x128xf32, #tpu.memory_space<vmem>> -> memref<128x128xf32, #tpu.memory_space<vmem>>
    %dma_wait3A_155 = arith.constant 0 : i32
    %dma_wait3A_156 = tpu.memref_slice %arg9[%dma_wait3A_151, %dma_wait3A_155] : memref<4x128xi32, #tpu.memory_space<vmem>> -> memref<1x128xi32, #tpu.memory_space<vmem>>
    %dma_wait3A_157 = tpu.memref_squeeze %dma_wait3A_156 : memref<1x128xi32, #tpu.memory_space<vmem>> -> memref<128xi32, #tpu.memory_space<vmem>>
    %dma_wait3A_158 = arith.constant 0 : i32
    %dma_wait3A_159 = arith.constant 0 : i32
    %dma_wait3A_160 = tpu.memref_slice %arg5[%dma_wait3A_158, %dma_wait3A_159] : memref<499712x128xf32, #tpu.memory_space<hbm>> -> memref<499712x128xf32, #tpu.memory_space<hbm>>
    tpu.wait_indirect_dma semaphore(%arg11 : memref<!tpu.dma_semaphore, #tpu.memory_space<semaphore_mem>>) src(%dma_wait3A_160 : memref<499712x128xf32, #tpu.memory_space<hbm>>) dst(%dma_wait3A_154 : memref<128x128xf32, #tpu.memory_space<vmem>>)
    "tpu.region"() ({
      %run_scoped3A = tpu.sem_alloc : memref<!tpu.dma_semaphore, #tpu.memory_space<semaphore_mem>>
      %dma_start3A_161 = arith.constant 0 : i32
      %dma_start3A_162 = tpu.memref_slice %arg7[%mul3A_2, %dma_start3A_161] : memref<16384x128xf32, #tpu.memory_space<hbm>> -> memref<512x128xf32, #tpu.memory_space<hbm>>
      %dma_start3A_163 = arith.constant 0 : i32
      %dma_start3A_164 = tpu.memref_slice %arg7[%mul3A_2, %dma_start3A_163] : memref<16384x128xf32, #tpu.memory_space<hbm>> -> memref<512x128xf32, #tpu.memory_space<hbm>>
      tpu.enqueue_dma source(%arg10 : memref<512x128xf32, #tpu.memory_space<vmem>>) target(%dma_start3A_164 : memref<512x128xf32, #tpu.memory_space<hbm>>) target_semaphore(%run_scoped3A : memref<!tpu.dma_semaphore, #tpu.memory_space<semaphore_mem>>)
      %dma_wait3A_165 = arith.constant 0 : i32
      %dma_wait3A_166 = tpu.memref_slice %arg7[%mul3A_2, %dma_wait3A_165] : memref<16384x128xf32, #tpu.memory_space<hbm>> -> memref<512x128xf32, #tpu.memory_space<hbm>>
      %dma_wait3A_167 = arith.constant 0 : i32
      %dma_wait3A_168 = tpu.memref_slice %arg7[%mul3A_2, %dma_wait3A_167] : memref<16384x128xf32, #tpu.memory_space<hbm>> -> memref<512x128xf32, #tpu.memory_space<hbm>>
      tpu.wait_dma2 semaphore(%run_scoped3A : memref<!tpu.dma_semaphore, #tpu.memory_space<semaphore_mem>>) src(%arg10 : memref<512x128xf32, #tpu.memory_space<vmem>>) dst(%dma_wait3A_168 : memref<512x128xf32, #tpu.memory_space<hbm>>)
      tpu.yield
    }) : () -> ()
    return
  }
}

module attributes {stable_mosaic.version = 14 : i64} {
  func.func @_tr_body(%arg0: i32, %arg1: memref<64x1024xf32, #tpu.memory_space<vmem>>, %arg2: memref<64x1024xf32, #tpu.memory_space<vmem>>, %arg3: memref<64x64xf32, #tpu.memory_space<vmem>>, %arg4: memref<1024x128xf32, #tpu.memory_space<vmem>>) attributes {dimension_semantics = [#tpu.dimension_semantics<arbitrary>], iteration_bounds = array<i64: 488>, scalar_prefetch = 0 : i64, scratch_operands = 0 : i64, tpu.core_type = #tpu.core_type<tc>, window_params = [{transform_indices = @transform_0, window_bounds = array<i64: 64, 1024>}, {transform_indices = @transform_1, window_bounds = array<i64: 64, 1024>}, {pipeline_mode = #tpu.pipeline_mode<synchronous>, transform_indices = @transform_2, window_bounds = array<i64: 64, 64>}, {transform_indices = @transform_3, window_bounds = array<i64: 1024, 128>}]} {
    %get3A = arith.constant 0 : index
    %get3A_0 = arith.constant 0 : index
    %get3A_1 = vector.load %arg3[%get3A, %get3A_0] : memref<64x64xf32, #tpu.memory_space<vmem>>, vector<64x64xf32>
    %get3A_2 = arith.constant 0 : index
    %get3A_3 = arith.constant 0 : index
    %get3A_4 = vector.load %arg1[%get3A_2, %get3A_3] : memref<64x1024xf32, #tpu.memory_space<vmem>>, vector<64x1024xf32>
    %dot_general3A = arith.constant dense<0.000000e+00> : vector<1024x64xf32>
    %dot_general3A_5 = tpu.matmul %get3A_4, %get3A_1, %dot_general3A {dimension_numbers = #tpu.dot_dimension_numbers<[0], [0], [1], [1], [0, 1, 1, 1], [], []>, transpose_lhs_hint = false} : vector<64x1024xf32>, vector<64x64xf32>, vector<1024x64xf32> -> vector<1024x64xf32>
    %swap3A = arith.constant 0 : index
    %swap3A_6 = arith.constant 0 : index
    %swap3A_7 = vector.load %arg4[%swap3A, %swap3A_6] : memref<1024x128xf32, #tpu.memory_space<vmem>>, vector<1024x64xf32>
    tpu.vector_store %arg4[%swap3A, %swap3A_6], %dot_general3A_5 {strides = array<i32>} : memref<1024x128xf32, #tpu.memory_space<vmem>>, vector<1024x64xf32>,
    %get3A_8 = arith.constant 0 : index
    %get3A_9 = arith.constant 0 : index
    %get3A_10 = vector.load %arg2[%get3A_8, %get3A_9] : memref<64x1024xf32, #tpu.memory_space<vmem>>, vector<64x1024xf32>
    %dot_general3A_11 = arith.constant dense<0.000000e+00> : vector<1024x64xf32>
    %dot_general3A_12 = tpu.matmul %get3A_10, %get3A_1, %dot_general3A_11 {dimension_numbers = #tpu.dot_dimension_numbers<[0], [0], [1], [1], [0, 1, 1, 1], [], []>, transpose_lhs_hint = false} : vector<64x1024xf32>, vector<64x64xf32>, vector<1024x64xf32> -> vector<1024x64xf32>
    %swap3A_13 = arith.constant 0 : index
    %swap3A_14 = arith.constant 64 : index
    %swap3A_15 = vector.load %arg4[%swap3A_13, %swap3A_14] : memref<1024x128xf32, #tpu.memory_space<vmem>>, vector<1024x64xf32>
    tpu.vector_store %arg4[%swap3A_13, %swap3A_14], %dot_general3A_12 {strides = array<i32>} : memref<1024x128xf32, #tpu.memory_space<vmem>>, vector<1024x64xf32>,
    return
  }
  func.func @transform_0(%arg0: i32) -> (i32, i32) {
    %mul3A = arith.constant 2 : i32
    %mul3A_0 = arith.muli %mul3A, %arg0 : i32
    %c0_i32 = arith.constant 0 : i32
    %c0_i32_1 = arith.constant 0 : i32
    return %c0_i32, %mul3A_0 : i32, i32
  }
  func.func @transform_1(%arg0: i32) -> (i32, i32) {
    %mul3A = arith.constant 2 : i32
    %mul3A_0 = arith.muli %mul3A, %arg0 : i32
    %add3A = arith.constant 1 : i32
    %add3A_1 = arith.addi %mul3A_0, %add3A : i32
    %c0_i32 = arith.constant 0 : i32
    %c0_i32_2 = arith.constant 0 : i32
    return %c0_i32, %add3A_1 : i32, i32
  }
  func.func @transform_2(%arg0: i32) -> (i32, i32) {
    %c0_i32 = arith.constant 0 : i32
    %c0_i32_0 = arith.constant 0 : i32
    %c0_i32_1 = arith.constant 0 : i32
    return %c0_i32, %c0_i32_0 : i32, i32
  }
  func.func @transform_3(%arg0: i32) -> (i32, i32) {
    %c0_i32 = arith.constant 0 : i32
    %c0_i32_0 = arith.constant 0 : i32
    return %arg0, %c0_i32 : i32, i32
  }
}

module attributes {stable_mosaic.version = 14 : i64} {
  func.func @_mlp_body(%arg0: i32, %arg1: memref<2048x128xf32, #tpu.memory_space<vmem>>, %arg2: memref<2048x128xf32, #tpu.memory_space<vmem>>, %arg3: memref<1x2048x1xi32, #tpu.memory_space<vmem>>, %arg4: memref<1x2048x1xi32, #tpu.memory_space<vmem>>, %arg5: memref<64x576xf32, #tpu.memory_space<vmem>>, %arg6: memref<64x576xf32, #tpu.memory_space<vmem>>, %arg7: memref<128x128xf32, #tpu.memory_space<vmem>>, %arg8: memref<1x128xf32, #tpu.memory_space<vmem>>, %arg9: memref<1x128xf32, #tpu.memory_space<vmem>>, %arg10: memref<1x128xf32, #tpu.memory_space<vmem>>, %arg11: memref<128x64xf32, #tpu.memory_space<vmem>>, %arg12: memref<1x64xf32, #tpu.memory_space<vmem>>, %arg13: memref<1x64xf32, #tpu.memory_space<vmem>>, %arg14: memref<1x64xf32, #tpu.memory_space<vmem>>, %arg15: memref<64x32xf32, #tpu.memory_space<vmem>>, %arg16: memref<1x32xf32, #tpu.memory_space<vmem>>, %arg17: memref<1x32xf32, #tpu.memory_space<vmem>>, %arg18: memref<1x32xf32, #tpu.memory_space<vmem>>, %arg19: memref<1x32xf32, #tpu.memory_space<vmem>>, %arg20: memref<1x1xf32, #tpu.memory_space<smem>>, %arg21: memref<2048xf32, #tpu.memory_space<vmem>>) attributes {dimension_semantics = [#tpu.dimension_semantics<arbitrary>], iteration_bounds = array<i64: 8>, scalar_prefetch = 0 : i64, scratch_operands = 0 : i64, tpu.core_type = #tpu.core_type<tc>, window_params = [{transform_indices = @transform_0, window_bounds = array<i64: 2048, 128>}, {transform_indices = @transform_1, window_bounds = array<i64: 2048, 128>}, {transform_indices = @transform_2, window_bounds = array<i64: 1, 2048, 1>}, {transform_indices = @transform_3, window_bounds = array<i64: 1, 2048, 1>}, {pipeline_mode = #tpu.pipeline_mode<synchronous>, transform_indices = @transform_4, window_bounds = array<i64: 64, 576>}, {pipeline_mode = #tpu.pipeline_mode<synchronous>, transform_indices = @transform_5, window_bounds = array<i64: 64, 576>}, {pipeline_mode = #tpu.pipeline_mode<synchronous>, transform_indices = @transform_6, window_bounds = array<i64: 128, 128>}, {pipeline_mode = #tpu.pipeline_mode<synchronous>, transform_indices = @transform_7, window_bounds = array<i64: 1, 128>}, {pipeline_mode = #tpu.pipeline_mode<synchronous>, transform_indices = @transform_8, window_bounds = array<i64: 1, 128>}, {pipeline_mode = #tpu.pipeline_mode<synchronous>, transform_indices = @transform_9, window_bounds = array<i64: 1, 128>}, {pipeline_mode = #tpu.pipeline_mode<synchronous>, transform_indices = @transform_10, window_bounds = array<i64: 128, 64>}, {pipeline_mode = #tpu.pipeline_mode<synchronous>, transform_indices = @transform_11, window_bounds = array<i64: 1, 64>}, {pipeline_mode = #tpu.pipeline_mode<synchronous>, transform_indices = @transform_12, window_bounds = array<i64: 1, 64>}, {pipeline_mode = #tpu.pipeline_mode<synchronous>, transform_indices = @transform_13, window_bounds = array<i64: 1, 64>}, {pipeline_mode = #tpu.pipeline_mode<synchronous>, transform_indices = @transform_14, window_bounds = array<i64: 64, 32>}, {pipeline_mode = #tpu.pipeline_mode<synchronous>, transform_indices = @transform_15, window_bounds = array<i64: 1, 32>}, {pipeline_mode = #tpu.pipeline_mode<synchronous>, transform_indices = @transform_16, window_bounds = array<i64: 1, 32>}, {pipeline_mode = #tpu.pipeline_mode<synchronous>, transform_indices = @transform_17, window_bounds = array<i64: 1, 32>}, {pipeline_mode = #tpu.pipeline_mode<synchronous>, transform_indices = @transform_18, window_bounds = array<i64: 1, 32>}, {transform_indices = @transform_19, window_bounds = array<i64: 1, 1>}, {transform_indices = @transform_20, window_bounds = array<i64: 2048>}]} {
    %get3A = arith.constant 0 : index
    %get3A_0 = arith.constant 0 : index
    %get3A_1 = arith.constant 0 : index
    %get3A_2 = vector.load %arg3[%get3A, %get3A_0, %get3A_1] : memref<1x2048x1xi32, #tpu.memory_space<vmem>>, vector<1x2048x1xi32>
    %get3A_3 = vector.shape_cast %get3A_2 : vector<1x2048x1xi32> to vector<2048x1xi32>
    %get3A_4 = arith.constant 0 : index
    %get3A_5 = arith.constant 0 : index
    %get3A_6 = arith.constant 0 : index
    %get3A_7 = vector.load %arg4[%get3A_4, %get3A_5, %get3A_6] : memref<1x2048x1xi32, #tpu.memory_space<vmem>>, vector<1x2048x1xi32>
    %get3A_8 = vector.shape_cast %get3A_7 : vector<1x2048x1xi32> to vector<2048x1xi32>
    %shift_right_arithmetic3A = arith.constant 10 : i32
    %shift_right_arithmetic3A_9 = vector.broadcast %shift_right_arithmetic3A : i32 to vector<2048x1xi32>
    %shift_right_arithmetic3A_10 = arith.shrsi %get3A_3, %shift_right_arithmetic3A_9 : vector<2048x1xi32>
    %and3A = arith.constant 1 : i32
    %and3A_11 = vector.broadcast %and3A : i32 to vector<2048x1xi32>
    %and3A_12 = arith.andi %shift_right_arithmetic3A_10, %and3A_11 : vector<2048x1xi32>
    %eq3A = arith.constant 1 : i32
    %eq3A_13 = vector.broadcast %eq3A : i32 to vector<2048x1xi32>
    %eq3A_14 = arith.cmpi eq, %and3A_12, %eq3A_13 : vector<2048x1xi32>
    %shift_right_arithmetic3A_15 = arith.constant 10 : i32
    %shift_right_arithmetic3A_16 = vector.broadcast %shift_right_arithmetic3A_15 : i32 to vector<2048x1xi32>
    %shift_right_arithmetic3A_17 = arith.shrsi %get3A_8, %shift_right_arithmetic3A_16 : vector<2048x1xi32>
    %and3A_18 = arith.constant 1 : i32
    %and3A_19 = vector.broadcast %and3A_18 : i32 to vector<2048x1xi32>
    %and3A_20 = arith.andi %shift_right_arithmetic3A_17, %and3A_19 : vector<2048x1xi32>
    %eq3A_21 = arith.constant 1 : i32
    %eq3A_22 = vector.broadcast %eq3A_21 : i32 to vector<2048x1xi32>
    %eq3A_23 = arith.cmpi eq, %and3A_20, %eq3A_22 : vector<2048x1xi32>
    %get3A_24 = arith.constant 0 : index
    %get3A_25 = arith.constant 64 : index
    %get3A_26 = vector.load %arg1[%get3A_24, %get3A_25] : memref<2048x128xf32, #tpu.memory_space<vmem>>, vector<2048x64xf32>
    %get3A_27 = arith.constant 0 : index
    %get3A_28 = arith.constant 0 : index
    %get3A_29 = vector.load %arg1[%get3A_27, %get3A_28] : memref<2048x128xf32, #tpu.memory_space<vmem>>, vector<2048x64xf32>
    %broadcast_in_dim3A = vector.shape_cast %eq3A_14 : vector<2048x1xi1> to vector<2048x1xi1>
    %broadcast_in_dim3A_30 = vector.broadcast %broadcast_in_dim3A : vector<2048x1xi1> to vector<2048x64xi1>
    %select_n3A = arith.select %broadcast_in_dim3A_30, %get3A_26, %get3A_29 : vector<2048x64xi1>, vector<2048x64xf32>
    %get3A_31 = arith.constant 0 : index
    %get3A_32 = arith.constant 64 : index
    %get3A_33 = vector.load %arg2[%get3A_31, %get3A_32] : memref<2048x128xf32, #tpu.memory_space<vmem>>, vector<2048x64xf32>
    %get3A_34 = arith.constant 0 : index
    %get3A_35 = arith.constant 0 : index
    %get3A_36 = vector.load %arg2[%get3A_34, %get3A_35] : memref<2048x128xf32, #tpu.memory_space<vmem>>, vector<2048x64xf32>
    %broadcast_in_dim3A_37 = vector.shape_cast %eq3A_23 : vector<2048x1xi1> to vector<2048x1xi1>
    %broadcast_in_dim3A_38 = vector.broadcast %broadcast_in_dim3A_37 : vector<2048x1xi1> to vector<2048x64xi1>
    %select_n3A_39 = arith.select %broadcast_in_dim3A_38, %get3A_33, %get3A_36 : vector<2048x64xi1>, vector<2048x64xf32>
    %iota3A = tpu.iota {dimensions = array<i32: 1>} : vector<2048x576xi32>
    %sub3A = arith.constant 999424 : i32
    %sub3A_40 = vector.broadcast %sub3A : i32 to vector<2048x1xi32>
    %sub3A_41 = arith.subi %get3A_3, %sub3A_40 : vector<2048x1xi32>
    %eq3A_42 = vector.broadcast %sub3A_41 : vector<2048x1xi32> to vector<2048x576xi32>
    %eq3A_43 = arith.cmpi eq, %iota3A, %eq3A_42 : vector<2048x576xi32>
    %convert_element_type3A = arith.extui %eq3A_43 : vector<2048x576xi1> to vector<2048x576xi32>
    %convert_element_type3A_44 = arith.sitofp %convert_element_type3A : vector<2048x576xi32> to vector<2048x576xf32>
    %get3A_45 = arith.constant 0 : index
    %get3A_46 = arith.constant 0 : index
    %get3A_47 = vector.load %arg5[%get3A_45, %get3A_46] : memref<64x576xf32, #tpu.memory_space<vmem>>, vector<64x576xf32>
    %dot_general3A = arith.constant dense<0.000000e+00> : vector<2048x64xf32>
    %dot_general3A_48 = tpu.matmul %convert_element_type3A_44, %get3A_47, %dot_general3A {dimension_numbers = #tpu.dot_dimension_numbers<[1], [1], [0], [0], [0, 0, 1, 0], [], []>, transpose_lhs_hint = false} : vector<2048x576xf32>, vector<64x576xf32>, vector<2048x64xf32> -> vector<2048x64xf32>
    %ge3A = arith.constant 999424 : i32
    %ge3A_49 = vector.broadcast %ge3A : i32 to vector<2048x1xi32>
    %ge3A_50 = arith.cmpi sge, %get3A_3, %ge3A_49 : vector<2048x1xi32>
    %broadcast_in_dim3A_51 = vector.shape_cast %ge3A_50 : vector<2048x1xi1> to vector<2048x1xi1>
    %broadcast_in_dim3A_52 = vector.broadcast %broadcast_in_dim3A_51 : vector<2048x1xi1> to vector<2048x64xi1>
    %select_n3A_53 = arith.select %broadcast_in_dim3A_52, %dot_general3A_48, %select_n3A : vector<2048x64xi1>, vector<2048x64xf32>
    %iota3A_54 = tpu.iota {dimensions = array<i32: 1>} : vector<2048x576xi32>
    %sub3A_55 = arith.constant 999424 : i32
    %sub3A_56 = vector.broadcast %sub3A_55 : i32 to vector<2048x1xi32>
    %sub3A_57 = arith.subi %get3A_8, %sub3A_56 : vector<2048x1xi32>
    %eq3A_58 = vector.broadcast %sub3A_57 : vector<2048x1xi32> to vector<2048x576xi32>
    %eq3A_59 = arith.cmpi eq, %iota3A_54, %eq3A_58 : vector<2048x576xi32>
    %convert_element_type3A_60 = arith.extui %eq3A_59 : vector<2048x576xi1> to vector<2048x576xi32>
    %convert_element_type3A_61 = arith.sitofp %convert_element_type3A_60 : vector<2048x576xi32> to vector<2048x576xf32>
    %get3A_62 = arith.constant 0 : index
    %get3A_63 = arith.constant 0 : index
    %get3A_64 = vector.load %arg6[%get3A_62, %get3A_63] : memref<64x576xf32, #tpu.memory_space<vmem>>, vector<64x576xf32>
    %dot_general3A_65 = arith.constant dense<0.000000e+00> : vector<2048x64xf32>
    %dot_general3A_66 = tpu.matmul %convert_element_type3A_61, %get3A_64, %dot_general3A_65 {dimension_numbers = #tpu.dot_dimension_numbers<[1], [1], [0], [0], [0, 0, 1, 0], [], []>, transpose_lhs_hint = false} : vector<2048x576xf32>, vector<64x576xf32>, vector<2048x64xf32> -> vector<2048x64xf32>
    %ge3A_67 = arith.constant 999424 : i32
    %ge3A_68 = vector.broadcast %ge3A_67 : i32 to vector<2048x1xi32>
    %ge3A_69 = arith.cmpi sge, %get3A_8, %ge3A_68 : vector<2048x1xi32>
    %broadcast_in_dim3A_70 = vector.shape_cast %ge3A_69 : vector<2048x1xi1> to vector<2048x1xi1>
    %broadcast_in_dim3A_71 = vector.broadcast %broadcast_in_dim3A_70 : vector<2048x1xi1> to vector<2048x64xi1>
    %select_n3A_72 = arith.select %broadcast_in_dim3A_71, %dot_general3A_66, %select_n3A_39 : vector<2048x64xi1>, vector<2048x64xf32>
    %get3A_73 = arith.constant 0 : index
    %get3A_74 = arith.constant 0 : index
    %get3A_75 = vector.load %arg7[%get3A_73, %get3A_74] : memref<128x128xf32, #tpu.memory_space<vmem>>, vector<64x128xf32>
    %dot_general3A_76 = arith.constant dense<0.000000e+00> : vector<2048x128xf32>
    %dot_general3A_77 = tpu.matmul %select_n3A_53, %get3A_75, %dot_general3A_76 {dimension_numbers = #tpu.dot_dimension_numbers<[1], [0], [0], [1], [0, 0, 1, 1], [], []>, transpose_lhs_hint = false} : vector<2048x64xf32>, vector<64x128xf32>, vector<2048x128xf32> -> vector<2048x128xf32>
    %get3A_78 = arith.constant 64 : index
    %get3A_79 = arith.constant 0 : index
    %get3A_80 = vector.load %arg7[%get3A_78, %get3A_79] : memref<128x128xf32, #tpu.memory_space<vmem>>, vector<64x128xf32>
    %dot_general3A_81 = arith.constant dense<0.000000e+00> : vector<2048x128xf32>
    %dot_general3A_82 = tpu.matmul %select_n3A_72, %get3A_80, %dot_general3A_81 {dimension_numbers = #tpu.dot_dimension_numbers<[1], [0], [0], [1], [0, 0, 1, 1], [], []>, transpose_lhs_hint = false} : vector<2048x64xf32>, vector<64x128xf32>, vector<2048x128xf32> -> vector<2048x128xf32>
    %add3A = arith.addf %dot_general3A_77, %dot_general3A_82 : vector<2048x128xf32>
    %get3A_83 = arith.constant 0 : index
    %get3A_84 = arith.constant 0 : index
    %get3A_85 = vector.load %arg8[%get3A_83, %get3A_84] : memref<1x128xf32, #tpu.memory_space<vmem>>, vector<1x128xf32>
    %add3A_86 = vector.broadcast %get3A_85 : vector<1x128xf32> to vector<2048x128xf32>
    %add3A_87 = arith.addf %add3A, %add3A_86 : vector<2048x128xf32>
    %max3A = arith.constant 0.000000e+00 : f32
    %max3A_88 = vector.broadcast %max3A : f32 to vector<2048x128xf32>
    %max3A_89 = arith.maximumf %add3A_87, %max3A_88 : vector<2048x128xf32>
    %get3A_90 = arith.constant 0 : index
    %get3A_91 = arith.constant 0 : index
    %get3A_92 = vector.load %arg9[%get3A_90, %get3A_91] : memref<1x128xf32, #tpu.memory_space<vmem>>, vector<1x128xf32>
    %mul3A = arith.constant 0.999994993 : f32
    %mul3A_93 = vector.broadcast %mul3A : f32 to vector<1x128xf32>
    %mul3A_94 = arith.mulf %get3A_92, %mul3A_93 : vector<1x128xf32>
    %mul3A_95 = vector.broadcast %mul3A_94 : vector<1x128xf32> to vector<2048x128xf32>
    %mul3A_96 = arith.mulf %max3A_89, %mul3A_95 : vector<2048x128xf32>
    %get3A_97 = arith.constant 0 : index
    %get3A_98 = arith.constant 0 : index
    %get3A_99 = vector.load %arg10[%get3A_97, %get3A_98] : memref<1x128xf32, #tpu.memory_space<vmem>>, vector<1x128xf32>
    %add3A_100 = vector.broadcast %get3A_99 : vector<1x128xf32> to vector<2048x128xf32>
    %add3A_101 = arith.addf %mul3A_96, %add3A_100 : vector<2048x128xf32>
    %get3A_102 = arith.constant 0 : index
    %get3A_103 = arith.constant 0 : index
    %get3A_104 = vector.load %arg11[%get3A_102, %get3A_103] : memref<128x64xf32, #tpu.memory_space<vmem>>, vector<128x64xf32>
    %dot_general3A_105 = arith.constant dense<0.000000e+00> : vector<2048x64xf32>
    %dot_general3A_106 = tpu.matmul %add3A_101, %get3A_104, %dot_general3A_105 {dimension_numbers = #tpu.dot_dimension_numbers<[1], [0], [0], [1], [0, 0, 1, 1], [], []>, transpose_lhs_hint = false} : vector<2048x128xf32>, vector<128x64xf32>, vector<2048x64xf32> -> vector<2048x64xf32>
    %get3A_107 = arith.constant 0 : index
    %get3A_108 = arith.constant 0 : index
    %get3A_109 = vector.load %arg12[%get3A_107, %get3A_108] : memref<1x64xf32, #tpu.memory_space<vmem>>, vector<1x64xf32>
    %add3A_110 = vector.broadcast %get3A_109 : vector<1x64xf32> to vector<2048x64xf32>
    %add3A_111 = arith.addf %dot_general3A_106, %add3A_110 : vector<2048x64xf32>
    %max3A_112 = arith.constant 0.000000e+00 : f32
    %max3A_113 = vector.broadcast %max3A_112 : f32 to vector<2048x64xf32>
    %max3A_114 = arith.maximumf %add3A_111, %max3A_113 : vector<2048x64xf32>
    %get3A_115 = arith.constant 0 : index
    %get3A_116 = arith.constant 0 : index
    %get3A_117 = vector.load %arg13[%get3A_115, %get3A_116] : memref<1x64xf32, #tpu.memory_space<vmem>>, vector<1x64xf32>
    %mul3A_118 = arith.constant 0.999994993 : f32
    %mul3A_119 = vector.broadcast %mul3A_118 : f32 to vector<1x64xf32>
    %mul3A_120 = arith.mulf %get3A_117, %mul3A_119 : vector<1x64xf32>
    %mul3A_121 = vector.broadcast %mul3A_120 : vector<1x64xf32> to vector<2048x64xf32>
    %mul3A_122 = arith.mulf %max3A_114, %mul3A_121 : vector<2048x64xf32>
    %get3A_123 = arith.constant 0 : index
    %get3A_124 = arith.constant 0 : index
    %get3A_125 = vector.load %arg14[%get3A_123, %get3A_124] : memref<1x64xf32, #tpu.memory_space<vmem>>, vector<1x64xf32>
    %add3A_126 = vector.broadcast %get3A_125 : vector<1x64xf32> to vector<2048x64xf32>
    %add3A_127 = arith.addf %mul3A_122, %add3A_126 : vector<2048x64xf32>
    %get3A_128 = arith.constant 0 : index
    %get3A_129 = arith.constant 0 : index
    %get3A_130 = vector.load %arg15[%get3A_128, %get3A_129] : memref<64x32xf32, #tpu.memory_space<vmem>>, vector<64x32xf32>
    %dot_general3A_131 = arith.constant dense<0.000000e+00> : vector<2048x32xf32>
    %dot_general3A_132 = tpu.matmul %add3A_127, %get3A_130, %dot_general3A_131 {dimension_numbers = #tpu.dot_dimension_numbers<[1], [0], [0], [1], [0, 0, 1, 1], [], []>, transpose_lhs_hint = false} : vector<2048x64xf32>, vector<64x32xf32>, vector<2048x32xf32> -> vector<2048x32xf32>
    %get3A_133 = arith.constant 0 : index
    %get3A_134 = arith.constant 0 : index
    %get3A_135 = vector.load %arg16[%get3A_133, %get3A_134] : memref<1x32xf32, #tpu.memory_space<vmem>>, vector<1x32xf32>
    %add3A_136 = vector.broadcast %get3A_135 : vector<1x32xf32> to vector<2048x32xf32>
    %add3A_137 = arith.addf %dot_general3A_132, %add3A_136 : vector<2048x32xf32>
    %max3A_138 = arith.constant 0.000000e+00 : f32
    %max3A_139 = vector.broadcast %max3A_138 : f32 to vector<2048x32xf32>
    %max3A_140 = arith.maximumf %add3A_137, %max3A_139 : vector<2048x32xf32>
    %get3A_141 = arith.constant 0 : index
    %get3A_142 = arith.constant 0 : index
    %get3A_143 = vector.load %arg17[%get3A_141, %get3A_142] : memref<1x32xf32, #tpu.memory_space<vmem>>, vector<1x32xf32>
    %mul3A_144 = arith.constant 0.999994993 : f32
    %mul3A_145 = vector.broadcast %mul3A_144 : f32 to vector<1x32xf32>
    %mul3A_146 = arith.mulf %get3A_143, %mul3A_145 : vector<1x32xf32>
    %mul3A_147 = vector.broadcast %mul3A_146 : vector<1x32xf32> to vector<2048x32xf32>
    %mul3A_148 = arith.mulf %max3A_140, %mul3A_147 : vector<2048x32xf32>
    %get3A_149 = arith.constant 0 : index
    %get3A_150 = arith.constant 0 : index
    %get3A_151 = vector.load %arg18[%get3A_149, %get3A_150] : memref<1x32xf32, #tpu.memory_space<vmem>>, vector<1x32xf32>
    %add3A_152 = vector.broadcast %get3A_151 : vector<1x32xf32> to vector<2048x32xf32>
    %add3A_153 = arith.addf %mul3A_148, %add3A_152 : vector<2048x32xf32>
    %get3A_154 = arith.constant 0 : index
    %get3A_155 = arith.constant 0 : index
    %get3A_156 = vector.load %arg19[%get3A_154, %get3A_155] : memref<1x32xf32, #tpu.memory_space<vmem>>, vector<1x32xf32>
    %mul3A_157 = vector.broadcast %get3A_156 : vector<1x32xf32> to vector<2048x32xf32>
    %mul3A_158 = arith.mulf %add3A_153, %mul3A_157 : vector<2048x32xf32>
    %reduce_sum3A = arith.constant dense<0.000000e+00> : vector<2048xf32>
    %reduce_sum3A_159 = vector.multi_reduction <add>, %mul3A_158, %reduce_sum3A [1] : vector<2048x32xf32> to vector<2048xf32>
    %get3A_160 = arith.constant 0 : index
    %get3A_161 = arith.constant 0 : index
    %get3A_162 = memref.load %arg20[%get3A_160, %get3A_161] : memref<1x1xf32, #tpu.memory_space<smem>>
    %add3A_163 = vector.broadcast %get3A_162 : f32 to vector<2048xf32>
    %add3A_164 = arith.addf %reduce_sum3A_159, %add3A_163 : vector<2048xf32>
    %neg3A = arith.constant 0.000000e+00 : f32
    %neg3A_165 = vector.broadcast %neg3A : f32 to vector<2048xf32>
    %neg3A_166 = arith.subf %neg3A_165, %add3A_164 : vector<2048xf32>
    %exp3A = math.exp %neg3A_166 : vector<2048xf32>
    %add3A_167 = arith.constant 1.000000e+00 : f32
    %add3A_168 = vector.broadcast %add3A_167 : f32 to vector<2048xf32>
    %add3A_169 = arith.addf %add3A_168, %exp3A : vector<2048xf32>
    %div3A = arith.constant 1.000000e+00 : f32
    %div3A_170 = vector.broadcast %div3A : f32 to vector<2048xf32>
    %div3A_171 = arith.divf %div3A_170, %add3A_169 : vector<2048xf32>
    %swap3A = arith.constant 0 : index
    %swap3A_172 = vector.load %arg21[%swap3A] : memref<2048xf32, #tpu.memory_space<vmem>>, vector<2048xf32>
    tpu.vector_store %arg21[%swap3A], %div3A_171 {strides = array<i32>} : memref<2048xf32, #tpu.memory_space<vmem>>, vector<2048xf32>,
    return
  }
  func.func @transform_0(%arg0: i32) -> (i32, i32) {
    %c0_i32 = arith.constant 0 : i32
    %c0_i32_0 = arith.constant 0 : i32
    return %arg0, %c0_i32 : i32, i32
  }
  func.func @transform_1(%arg0: i32) -> (i32, i32) {
    %c0_i32 = arith.constant 0 : i32
    %c0_i32_0 = arith.constant 0 : i32
    return %arg0, %c0_i32 : i32, i32
  }
  func.func @transform_2(%arg0: i32) -> (i32, i32, i32) {
    %c0_i32 = arith.constant 0 : i32
    %c0_i32_0 = arith.constant 0 : i32
    %c0_i32_1 = arith.constant 0 : i32
    return %arg0, %c0_i32, %c0_i32_0 : i32, i32, i32
  }
  func.func @transform_3(%arg0: i32) -> (i32, i32, i32) {
    %c0_i32 = arith.constant 0 : i32
    %c0_i32_0 = arith.constant 0 : i32
    %c0_i32_1 = arith.constant 0 : i32
    return %arg0, %c0_i32, %c0_i32_0 : i32, i32, i32
  }
  func.func @transform_4(%arg0: i32) -> (i32, i32) {
    %c0_i32 = arith.constant 0 : i32
    %c0_i32_0 = arith.constant 0 : i32
    %c0_i32_1 = arith.constant 0 : i32
    return %c0_i32, %c0_i32_0 : i32, i32
  }
  func.func @transform_5(%arg0: i32) -> (i32, i32) {
    %c0_i32 = arith.constant 0 : i32
    %c0_i32_0 = arith.constant 0 : i32
    %c0_i32_1 = arith.constant 0 : i32
    return %c0_i32, %c0_i32_0 : i32, i32
  }
  func.func @transform_6(%arg0: i32) -> (i32, i32) {
    %c0_i32 = arith.constant 0 : i32
    %c0_i32_0 = arith.constant 0 : i32
    %c0_i32_1 = arith.constant 0 : i32
    return %c0_i32, %c0_i32_0 : i32, i32
  }
  func.func @transform_7(%arg0: i32) -> (i32, i32) {
    %c0_i32 = arith.constant 0 : i32
    %c0_i32_0 = arith.constant 0 : i32
    %c0_i32_1 = arith.constant 0 : i32
    return %c0_i32, %c0_i32_0 : i32, i32
  }
  func.func @transform_8(%arg0: i32) -> (i32, i32) {
    %c0_i32 = arith.constant 0 : i32
    %c0_i32_0 = arith.constant 0 : i32
    %c0_i32_1 = arith.constant 0 : i32
    return %c0_i32, %c0_i32_0 : i32, i32
  }
  func.func @transform_9(%arg0: i32) -> (i32, i32) {
    %c0_i32 = arith.constant 0 : i32
    %c0_i32_0 = arith.constant 0 : i32
    %c0_i32_1 = arith.constant 0 : i32
    return %c0_i32, %c0_i32_0 : i32, i32
  }
  func.func @transform_10(%arg0: i32) -> (i32, i32) {
    %c0_i32 = arith.constant 0 : i32
    %c0_i32_0 = arith.constant 0 : i32
    %c0_i32_1 = arith.constant 0 : i32
    return %c0_i32, %c0_i32_0 : i32, i32
  }
  func.func @transform_11(%arg0: i32) -> (i32, i32) {
    %c0_i32 = arith.constant 0 : i32
    %c0_i32_0 = arith.constant 0 : i32
    %c0_i32_1 = arith.constant 0 : i32
    return %c0_i32, %c0_i32_0 : i32, i32
  }
  func.func @transform_12(%arg0: i32) -> (i32, i32) {
    %c0_i32 = arith.constant 0 : i32
    %c0_i32_0 = arith.constant 0 : i32
    %c0_i32_1 = arith.constant 0 : i32
    return %c0_i32, %c0_i32_0 : i32, i32
  }
  func.func @transform_13(%arg0: i32) -> (i32, i32) {
    %c0_i32 = arith.constant 0 : i32
    %c0_i32_0 = arith.constant 0 : i32
    %c0_i32_1 = arith.constant 0 : i32
    return %c0_i32, %c0_i32_0 : i32, i32
  }
  func.func @transform_14(%arg0: i32) -> (i32, i32) {
    %c0_i32 = arith.constant 0 : i32
    %c0_i32_0 = arith.constant 0 : i32
    %c0_i32_1 = arith.constant 0 : i32
    return %c0_i32, %c0_i32_0 : i32, i32
  }
  func.func @transform_15(%arg0: i32) -> (i32, i32) {
    %c0_i32 = arith.constant 0 : i32
    %c0_i32_0 = arith.constant 0 : i32
    %c0_i32_1 = arith.constant 0 : i32
    return %c0_i32, %c0_i32_0 : i32, i32
  }
  func.func @transform_16(%arg0: i32) -> (i32, i32) {
    %c0_i32 = arith.constant 0 : i32
    %c0_i32_0 = arith.constant 0 : i32
    %c0_i32_1 = arith.constant 0 : i32
    return %c0_i32, %c0_i32_0 : i32, i32
  }
  func.func @transform_17(%arg0: i32) -> (i32, i32) {
    %c0_i32 = arith.constant 0 : i32
    %c0_i32_0 = arith.constant 0 : i32
    %c0_i32_1 = arith.constant 0 : i32
    return %c0_i32, %c0_i32_0 : i32, i32
  }
  func.func @transform_18(%arg0: i32) -> (i32, i32) {
    %c0_i32 = arith.constant 0 : i32
    %c0_i32_0 = arith.constant 0 : i32
    %c0_i32_1 = arith.constant 0 : i32
    return %c0_i32, %c0_i32_0 : i32, i32
  }
  func.func @transform_19(%arg0: i32) -> (i32, i32) {
    %c0_i32 = arith.constant 0 : i32
    %c0_i32_0 = arith.constant 0 : i32
    %c0_i32_1 = arith.constant 0 : i32
    return %c0_i32, %c0_i32_0 : i32, i32
  }
  func.func @transform_20(%arg0: i32) -> i32 {
    %c0_i32 = arith.constant 0 : i32
    return %arg0 : i32
  }
}

</mosaic_0001>

<sc_bundles>
// kernel: kernel.6.cloned.1.call-start
scs
__scs_entry_jumppad:
0x0: {  	(pc) =	sbr.rel $0x88, $3  }
0x1: {  	(tag) =	ssettag $0x0;
	lr =	simm.s32 $0x1  }
0x2: {  	[smem:$0x3F8F] =	sst lr;
	_ =	strace $0xD0000000  }
0x3: {  	_ = 	snop  }
0x4: {  	_ = 	snop  }
0x5: {  	_ = 	snop  }
0x6: {  	_ = 	snop  }
0x7: {  	_ = 	snop  }
__scs_overlays_trampoline_lowered:
0x8: {  	[smem:$0x3F9E] =	sst s0  }
0x9: {  	[smem:$0x3F9F] =	sst s1  }
0xa: {  	[smem:$0x3FA0] =	sst s2  }
0xb: {  	[smem:$0x3FA1] =	sst s3  }
0xc: {  	[smem:$0x3FA2] =	sst s4  }
0xd: {  	[smem:$0x3FA3] =	sst s5  }
0xe: {  	[smem:$0x3FA4] =	sst s6  }
0xf: {  	[smem:$0x3FA5] =	sst s7  }
0x10: {  	[smem:$0x3FA6] =	sst s8  }
0x11: {  	[smem:$0x3FA7] =	sst s9;
	s0 =	simm.s32 @!p0 $0x0  }
0x12: {  	s1 =	sld [smem:$0x3F8D];
	s0 =	simm.s32 @p0 $0x1  }
0x13: {  	[smem:$0x3FA8] =	sst s0;
	s0 =	simm.s32 @!p1 $0x0  }
0x14: {  	s2 =	sld [smem:$0x3F8C];
	s0 =	simm.s32 @p1 $0x1  }
0x15: {  	[smem:$0x3FA9] =	sst s0;
	s0 =	simm.s32 @!p2 $0x0  }
0x16: {  	s3 =	sld [smem:$0x3FDB];
	s0 =	simm.s32 @p2 $0x1  }
0x17: {  	s4 =	simm.s32 $0x1BF5;
	[smem:$0x3FAB] =	sst s0  }
0x18: {  	s0 =	sld [smem:$0x3F8E];
	_ =	swait.ge [sflag:s4], $0x0  }
0x19: {  	s7 =	sld [smem:$0x3F8F]  }
0x1a: {  	s8 =	sadd.s32 $0xFFFFE003, lr  }
0x1b: {  	s9 =	sadd.s32 $0xFFFFFEF7, lr;
	s5 =	simm.s32 $0xFFFFFFFF;
	p2 =	slt.u32 s8, $0xFFFFF086  }
0x1c: {  	p1 =	slt.u32 s9, $0xF7A;
	s5 =	simm.s32 @!p2 $0x0  }
0x1d: {  	s5 =	simm.s32 @p1 $0x1;
	p0 =	seq.s32 s7, s2  }
0x1e: {  	s7 =	smul.u32 @!p0 $0xF7A, s2;
	p2 =	seq.s32 @!p0 s5, $0x0  }
0x1f: {  	s9 =	smul.u32 $0xF7A, s1;
	s8 =	simm.s32 @!p0 $0x1BF5;
	p2 =	por !p2, p0  }
0x20: {  	[sflag:s8] =	ssyncset.s32 @!p0 $0xFFFFF086;
	s6 =	sadd.s32 @!p0 s3, s7;
	s7 =	simm.s32 @!p0 $0x108  }
0x21: {  	s3 =	sadd.s32 s3, s9;
	s6 =	sadd.s32 @!p0 $0x88, s6;
	s7 =	simm.s32 @p2 $0x1082  }
0x22: {  	[simem:s7], [sflag:s8] =	dma.local @!p0 [hbm:s6], $0xF7A  }
0x23: {  	s9 =	sor.u32 $0xD0000000, s2;
	s6 =	simm.s32 $0x108;
	_ =	swait.ge @!p0 [sflag:s8], $0x0  }
0x24: {  	s3 =	sadd.s32 $0x88, s3;
	s6 =	simm.s32 @!p1 $0x1082;
	[sflag:s4] =	ssyncset.s32 $0xFFFFF086  }
0x25: {  	[simem:s6], [sflag:s4] =	dma.local [hbm:s3], $0xF7A  }
0x26: {  	[smem:$0x3F8F] =	sst s1;
	(tag) =	ssettag s2;
	_ =	strace s9  }
0x27: {  	s1 =	sld [smem:$0x3F9F]  }
0x28: {  	s2 =	sld [smem:$0x3FA0]  }
0x29: {  	s4 =	sld [smem:$0x3FA2]  }
0x2a: {  	p0 =	seq.s32 s5, $0x0;
	s5 =	sld [smem:$0x3FA3]  }
0x2b: {  	s6 =	sld [smem:$0x3FA4]  }
0x2c: {  	s7 =	sld [smem:$0x3FA5]  }
0x2d: {  	s3 =	simm.s32 $0x108;
	s8 =	sld [smem:$0x3FA6]  }
0x2e: {  	s3 =	simm.s32 @!p0 $0x1082;
	s9 =	sld [smem:$0x3FA7]  }
0x2f: {  	lr =	sadd.s32 s0, s3;
	s0 =	sld [smem:$0x3F9E]  }
0x30: {  	s3 =	sld [smem:$0x3FA1]  }
0x31: {  	[smem:$0x3FAA] =	sst s10  }
0x32: {  	s10 =	sld [smem:$0x3FA8];
	_ =	sdelay $0x3  }
0x33: {  	p0 =	seq.s32 s10, $0x1;
	s10 =	sld [smem:$0x3FAA];
	_ =	sdelay $0x3  }
0x34: {  	[smem:$0x3FAA] =	sst s10  }
0x35: {  	s10 =	sld [smem:$0x3FA9];
	_ =	sdelay $0x3  }
0x36: {  	p1 =	seq.s32 s10, $0x1;
	s10 =	sld [smem:$0x3FAA];
	_ =	sdelay $0x3  }
0x37: {  	[smem:$0x3FAA] =	sst s10  }
0x38: {  	s10 =	sld [smem:$0x3FAB]  }
0x39: {  	_ = 	snop;
	(pc) =	sbr.ind lr, $3  }
0x3a: {  	_ = 	snop  }
0x3b: {  	_ = 	snop  }
0x3c: {  	p2 =	seq.s32 s10, $0x1;
	s10 =	sld [smem:$0x3FAA]  }
0x3d: {  	_ =	shalt  }
0x3e: {  	_ =	shalt  }
0x3f: {  	_ =	shalt  }
0x40: {  	_ =	shalt  }
0x41: {  	_ =	shalt  }
0x42: {  	_ =	shalt  }
0x43: {  	_ =	shalt  }
0x44: {  	_ =	shalt  }
0x45: {  	_ =	shalt  }
0x46: {  	_ =	shalt  }
0x47: {  	_ =	shalt  }
0x48: {  	_ =	shalt  }
0x49: {  	_ =	shalt  }
0x4a: {  	_ =	shalt  }
0x4b: {  	_ =	shalt  }
0x4c: {  	_ =	shalt  }
0x4d: {  	_ =	shalt  }
0x4e: {  	_ =	shalt  }
0x4f: {  	_ =	shalt  }
0x50: {  	_ =	shalt  }
0x51: {  	_ =	shalt  }
0x52: {  	_ =	shalt  }
0x53: {  	_ =	shalt  }
0x54: {  	_ =	shalt  }
0x55: {  	_ =	shalt  }
0x56: {  	_ =	shalt  }
0x57: {  	_ =	shalt  }
0x58: {  	_ =	shalt  }
0x59: {  	_ =	shalt  }
0x5a: {  	_ =	shalt  }
0x5b: {  	_ =	shalt  }
0x5c: {  	_ =	shalt  }
0x5d: {  	_ =	shalt  }
0x5e: {  	_ =	shalt  }
0x5f: {  	_ =	shalt  }
0x60: {  	_ =	shalt  }
0x61: {  	_ =	shalt  }
0x62: {  	_ =	shalt  }
0x63: {  	_ =	shalt  }
0x64: {  	_ =	shalt  }
0x65: {  	_ =	shalt  }
0x66: {  	_ =	shalt  }
0x67: {  	_ =	shalt  }
0x68: {  	_ =	shalt  }
0x69: {  	_ =	shalt  }
0x6a: {  	_ =	shalt  }
0x6b: {  	_ =	shalt  }
0x6c: {  	_ =	shalt  }
0x6d: {  	_ =	shalt  }
0x6e: {  	_ =	shalt  }
0x6f: {  	_ =	shalt  }
0x70: {  	_ =	shalt  }
0x71: {  	_ =	shalt  }
0x72: {  	_ =	shalt  }
0x73: {  	_ =	shalt  }
0x74: {  	_ =	shalt  }
0x75: {  	_ =	shalt  }
0x76: {  	_ =	shalt  }
0x77: {  	_ =	shalt  }
0x78: {  	_ =	shalt  }
0x79: {  	_ =	shalt  }
0x7a: {  	_ =	shalt  }
0x7b: {  	_ =	shalt  }
0x7c: {  	_ =	shalt  }
0x7d: {  	_ =	shalt  }
0x7e: {  	_ =	shalt  }
0x7f: {  	_ =	shalt  }
0x80: {  	_ =	shalt  }
0x81: {  	_ =	shalt  }
0x82: {  	_ =	shalt  }
0x83: {  	_ =	shalt  }
0x84: {  	_ =	shalt  }
0x85: {  	_ =	shalt  }
0x86: {  	_ =	shalt  }
0x87: {  	_ =	shalt  }
.Lfunc_end0:
.L_simem_size_0:
called_computation_lowered:
.L_overlay_start_0:
0x88: {  	s2 =	sld [smem:$0x3FD9]  }
0x89: {  	s3 =	sld [smem:$0x3FFE];
	_ =	sdelay $0x1  }
0x8a: {  	s1 =	srdreg.scid  }
0x8b: {  	s0 =	sand.u32 $0x1, s1  }
0x8c: {  	s17 =	sshll.u32 s0, $0xA;
	s2 =	sadd.s32 s3, s2  }
0x8d: {  	s2 =	sadd.s32 s2, s17  }
0x8e: {  	[smem:$0x3FB6] =	sst s2  }
0x8f: {  	_ = 	snop  }
0x90: {  	s2 =	sld [smem:$0x3FD0];
	(tm) =	ssettm $0x1  }
0x91: {  	s18 =	sld [smem:$0x3FFB];
	_ =	sdelay $0x3  }
0x92: {  	_ =	strace s18  }
0x93: {  	s3 =	sld [smem:$0x3FFC];
	_ =	sdelay $0x3  }
0x94: {  	_ =	strace s3  }
0x95: {  	s3 =	sld [smem:$0x3FFD];
	_ =	sdelay $0x3  }
0x96: {  	_ =	strace s3  }
0x97: {  	_ =	strace $0x8FFFFFFF  }
0x98: {  	s19 =	sld [smem:$0x3FDB];
	_ =	sdelay $0x1  }
0x99: {  	s4 =	simm.s32 $_scs_section_size  }
0x9a: {  	s5 =	simm.s32 $_size__tile_overlayer_lowered;
	s6 =	simm.s32 $_tile_overlayer_lowered  }
0x9b: {  	s22 =	simm.s32 $0x1BFF;
	s21 =	sshll.u32 s6, $0x1;
	s3 =	sadd.s32 s4, s19  }
0x9c: {  	s7 =	simm.s32 $0x0;
	s20 =	sshll.u32 s5, $0x1;
	s5 =	sadd.s32 s21, s3  }
0x9d: {  	[timem:s7], [sflag:s22] =	dma.local [hbm:s5], s20  }
0x9e: {  	_ =	swait.ge [sflag:s22], s20  }
0x9f: {  	s4 =	ssub.s32 $0x0, s20;
	[sflag:s22] =	ssyncset.done $0x0  }
0xa0: {  	[sflag:s22] =	ssyncadd.s32 s4;
	_ =	sdelay $0x1  }
0xa1: {  	s23 =	simm.s32 $0x1B8B  }
0xa2: {  	_ =	swait.ge [sflag:s23], $0x1  }
0xa3: {  	[sflag:s23] =	ssyncset.done $0x0  }
0xa4: {  	s25 =	simm.s32 $0x1B8E;
	s24 =	sld [smem:$0x3FFE];
	[sflag:s23] =	ssyncadd.s32 $0xFFFFFFFF  }
0xa5: {  	s26 =	simm.s32 $execute0_lowered;
	[smem:$0x3FD2] =	sst s25  }
0xa6: {  	s5 =	sshll.u32 s26, $0x1;
	_ =	strace $0x80000046;
	[dreg:$0x1] =	wrdreg $0xFFFFFFFF  }
0xa7: {  	s28 =	simm.s32 $_size_execute0_lowered;
	s3 =	sadd.s32 s3, s5;
	[dreg:$0x0] =	wrdreg $0x0  }
0xa8: {  	s5 =	sshll.u32 s28, $0x1;
	[dreg:$0x2] =	wrdreg s3  }
0xa9: {  	[dreg:$0x3] =	wrdreg s5  }
0xaa: {  	[dreg:$0x4] =	wrdreg $0xC0  }
0xab: {  	_ =	task [dreg:s7], $0x5FFFF  }
0xac: {  	[dreg:$0x1] =	wrdreg $0xFFFFFFFF  }
0xad: {  	[dreg:$0x0] =	wrdreg $0x60  }
0xae: {  	[dreg:$0x2] =	wrdreg s2  }
0xaf: {  	[dreg:$0x3] =	wrdreg s24  }
0xb0: {  	[dreg:$0x4] =	wrdreg $0x9  }
0xb1: {  	_ =	task.clear_ibuf [dreg:s7], $0x5FFFF;
	_ =	strace $0x90000046  }
0xb2: {  	s29 =	simm.s32 $0x9;
	_ =	strace $0x80000048  }
0xb3: {  	_ =	swait.ge [sflag:s29], $0x1  }
0xb4: {  	[sflag:s29] =	ssyncadd.s32 $0xFFFFFFFF  }
0xb5: {  	_ =	strace $0x90000048  }
0xb6: {  	_ =	sfence  }
0xb7: {  	s30 =	sld [smem:$0x0];
	_ =	sdelay $0x2  }
0xb8: {  	s31 =	sshll.u32 s1, $0xD;
	s1 =	sshrl.u32 s1, $0x2  }
0xb9: {  	s3 =	sand.u32 $0x4000, s31;
	s1 =	sadd.s32 s1, s30  }
0xba: {  	s0 =	sor.u32 s3, s0;
	s1 =	sshll.u32 s1, $0x11  }
0xbb: {  	s0 =	sor.u32 s1, s0  }
0xbc: {  	s0 =	sadd.s32 $0x8F2B, s0  }
0xbd: {  	[sflag:s0] =	ssyncadd.remote.s32 $0x1  }
0xbe: {  	_ =	sfence.sel $0xFFFF  }
0xbf: {  	[dreg:$0x0] =	wrdreg $0xFFFFFFFF;
	(pc) =	sbr.abs _section_cstart, $3  }
0xc0: {  	[dreg:$0x1] =	wrdreg $0xFFFFFFFF  }
0xc1: {  	_ =	task.clear_ibuf [dreg:s7], $0x2FFFF;
	_ =	strace $0x9FFFFFFF  }
0xc2: {  	(tm) =	ssettm $0x7FFFFFFF  }
0xc3: {  	_ =	shalt  }
tec
execute0_lowered:
.L_overlay_start_1:
0x0: {  	(tag) =	ssettag $0x1  }
0x1: {  	s1 =	srdreg.scid  }
0x2: {  	s3 =	rddreg [dreg:$0x0];
	s0 =	stileid.u32;
	s21 =	sand.u32 $0x1, s1  }
0x3: {  	s17 =	rddreg [dreg:$0x1];
	s4 =	sshll.u32 s0, $0xA;
	s5 =	sshll.u32 s21, $0x9  }
0x4: {  	s2 =	simm.s32 $0x0;
	s1 =	rddreg [dreg:$0x2];
	s16 =	sor.u32 s5, s4  }
0x5: {  	[smem:$0x7FF] =	sst s2;
	s5 =	sshrl.u32 s16, $0x3  }
0x6: {  	_ =	strace $0x80000047;
	s4 =	sadd.s32 s3, s5;
	s3 =	simm.s32 $0x2  }
0x7: {  	[tilespmem:s2], [sflag:$0x2] =	stream.linear.gather [hbm4b:s4+s2], $0x200, $0x38;
	[tilespmem:$0x10400] =	vst v63  }
0x8: {  	_ =	swait.ge [sflag:s3], $0x200  }
0x9: {  	s5 =	sadd.s32 s5, s17;
	[sflag:s3] =	ssyncset.done $0x0  }
0xa: {  	s6 =	simm.s32 $0x200;
	s5 =	sadd.s32 $0xF42E00, s5;
	[sflag:s3] =	ssyncadd.s32 $0xFFFFFE00  }
0xb: {  	[tilespmem:s6], [sflag:$0x2] =	stream.linear.gather [hbm4b:s5+s2], $0x200, $0x38;
	[tilespmem:$0x10400] =	vst v63  }
0xc: {  	_ =	swait.ge [sflag:s3], $0x200  }
0xd: {  	s8 =	simm.s32 $0x80;
	[sflag:s3] =	ssyncset.done $0x0  }
0xe: {  	s9 =	simm.s32 $0x400;
	s7 =	sadd.s32 $0x2E00, s17;
	[sflag:s3] =	ssyncadd.s32 $0xFFFFFE00  }
0xf: {  	[tilespmem:s9], [sflag:$0x1] =	stream.indirect.gather [hbm4b:s7+s8], $0x80, s2, s8, $0xb8;
	[tilespmem:$0x10400] =	vst v63  }
0x10: {  	s10 =	simm.s32 $0x4400  }
0x11: {  	[tilespmem:s10], [sflag:$0x1] =	stream.indirect.gather [hbm4b:s7+s8], $0x80, s8, s8, $0xb8;
	[tilespmem:$0x10400] =	vst v63  }
0x12: {  	s11 =	simm.s32 $0x100;
	s12 =	simm.s32 $0x8400  }
0x13: {  	[tilespmem:s12], [sflag:$0x1] =	stream.indirect.gather [hbm4b:s7+s8], $0x80, s11, s8, $0xb8;
	[tilespmem:$0x10400] =	vst v63  }
0x14: {  	s13 =	simm.s32 $0x180;
	s14 =	simm.s32 $0xC400;
	s15 =	simm.s32 $0x1  }
0x15: {  	[tilespmem:s14], [sflag:$0x1] =	stream.indirect.gather [hbm4b:s7+s8], $0x80, s13, s8, $0xb8;
	[tilespmem:$0x10400] =	vst v63  }
0x16: {  	_ =	swait.ge [sflag:s15], $0x4000  }
0x17: {  	[sflag:s15] =	ssyncset.done $0x0  }
0x18: {  	[sflag:s15] =	ssyncadd.s32 $0xFFFFC000  }
0x19: {  	_ =	swait.ge [sflag:s15], $0x4000  }
0x1a: {  	[sflag:s15] =	ssyncset.done $0x0  }
0x1b: {  	[sflag:s15] =	ssyncadd.s32 $0xFFFFC000  }
0x1c: {  	_ =	swait.ge [sflag:s15], $0x4000  }
0x1d: {  	[sflag:s15] =	ssyncset.done $0x0  }
0x1e: {  	[sflag:s15] =	ssyncadd.s32 $0xFFFFC000  }
0x1f: {  	s16 =	sshll.u32 s16, $0x4;
	_ =	swait.ge [sflag:s15], $0x4000  }
0x20: {  	s22 =	sadd.s32 s16, s17;
	[sflag:s15] =	ssyncset.done $0x0  }
0x21: {  	s16 =	sadd.s32 $0xF43600, s22;
	[sflag:s15] =	ssyncadd.s32 $0xFFFFC000  }
0x22: {  	[hbm4b:s16+s2] =	stream.linear.scatter [tilespmem:s9], [sflag:$0x2], $0x10000, $0x38;
	[tilespmem:$0x10400] =	vst v63  }
0x23: {  	_ =	swait.ge [sflag:s3], $0x10000  }
0x24: {  	[sflag:s3] =	ssyncset.done $0x0  }
0x25: {  	s17 =	sadd.s32 $0x7A2E00, s17;
	[sflag:s3] =	ssyncadd.s32 $0xFFFF0000  }
0x26: {  	[tilespmem:s9], [sflag:$0x1] =	stream.indirect.gather [hbm4b:s17+s8], $0x80, s6, s8, $0xb8;
	[tilespmem:$0x10400] =	vst v63  }
0x27: {  	s18 =	simm.s32 $0x280  }
0x28: {  	[tilespmem:s10], [sflag:$0x1] =	stream.indirect.gather [hbm4b:s17+s8], $0x80, s18, s8, $0xb8;
	[tilespmem:$0x10400] =	vst v63  }
0x29: {  	s19 =	simm.s32 $0x300  }
0x2a: {  	[tilespmem:s12], [sflag:$0x1] =	stream.indirect.gather [hbm4b:s17+s8], $0x80, s19, s8, $0xb8;
	[tilespmem:$0x10400] =	vst v63  }
0x2b: {  	s20 =	simm.s32 $0x380  }
0x2c: {  	[tilespmem:s14], [sflag:$0x1] =	stream.indirect.gather [hbm4b:s17+s8], $0x80, s20, s8, $0xb8;
	[tilespmem:$0x10400] =	vst v63  }
0x2d: {  	_ =	swait.ge [sflag:s15], $0x4000  }
0x2e: {  	[sflag:s15] =	ssyncset.done $0x0  }
0x2f: {  	[sflag:s15] =	ssyncadd.s32 $0xFFFFC000  }
0x30: {  	_ =	swait.ge [sflag:s15], $0x4000  }
0x31: {  	[sflag:s15] =	ssyncset.done $0x0  }
0x32: {  	s21 =	ssub.s32 $0x2, s21;
	[sflag:s15] =	ssyncadd.s32 $0xFFFFC000  }
0x33: {  	s23 =	sshrl.u32 s21, $0x1;
	_ =	swait.ge [sflag:s15], $0x4000  }
0x34: {  	s23 =	ssub.s32 s21, s23;
	[sflag:s15] =	ssyncset.done $0x0  }
0x35: {  	s31 =	smax.u32 s23, $0x1;
	[sflag:s15] =	ssyncadd.s32 $0xFFFFC000  }
0x36: {  	p0 =	sne.s32 s31, $0x1;
	_ =	swait.ge [sflag:s15], $0x4000  }
.Ltmp0:
0x37: {  	[sflag:s15] =	ssyncset.done $0x0;
	(pc) =	sbr.rel @!p0 .LBB2_2-.Ltmp0, $4  }
0x38: {  	s21 =	sadd.s32 $0xF83600, s22;
	[sflag:s15] =	ssyncadd.s32 $0xFFFFC000  }
0x39: {  	[hbm4b:s21+s2] =	stream.linear.scatter [tilespmem:s9], [sflag:$0x2], $0x10000, $0x38;
	[tilespmem:$0x10400] =	vst v63  }
0x3a: {  	_ =	swait.ge [sflag:s3], $0x10000  }
0x3b: {  	s22 =	sadd.s32 $0xFFFFFFFF, s31;
	[sflag:s3] =	ssyncset.done $0x0  }
.LBB2_1:
0x3c: {  	p0 =	sne.s32 s22, $0x1;
	s22 =	sadd.s32 $0xFFFFFFFF, s22;
	[sflag:s3] =	ssyncadd.s32 $0xFFFF0000  }
0x3d: {  	[tilespmem:s2], [sflag:$0x2] =	stream.linear.gather [hbm4b:s4+s2], $0x200, $0x38;
	[tilespmem:$0x10400] =	vst v63  }
0x3e: {  	_ =	swait.ge [sflag:s3], $0x200  }
0x3f: {  	[sflag:s3] =	ssyncset.done $0x0  }
0x40: {  	[sflag:s3] =	ssyncadd.s32 $0xFFFFFE00  }
0x41: {  	[tilespmem:s6], [sflag:$0x2] =	stream.linear.gather [hbm4b:s5+s2], $0x200, $0x38;
	[tilespmem:$0x10400] =	vst v63  }
0x42: {  	_ =	swait.ge [sflag:s3], $0x200  }
0x43: {  	[sflag:s3] =	ssyncset.done $0x0  }
0x44: {  	[sflag:s3] =	ssyncadd.s32 $0xFFFFFE00  }
0x45: {  	[tilespmem:s9], [sflag:$0x1] =	stream.indirect.gather [hbm4b:s7+s8], $0x80, s2, s8, $0xb8;
	[tilespmem:$0x10400] =	vst v63  }
0x46: {  	_ = 	snop  }
0x47: {  	[tilespmem:s10], [sflag:$0x1] =	stream.indirect.gather [hbm4b:s7+s8], $0x80, s8, s8, $0xb8;
	[tilespmem:$0x10400] =	vst v63  }
0x48: {  	_ = 	snop  }
0x49: {  	[tilespmem:s12], [sflag:$0x1] =	stream.indirect.gather [hbm4b:s7+s8], $0x80, s11, s8, $0xb8;
	[tilespmem:$0x10400] =	vst v63  }
0x4a: {  	_ = 	snop  }
0x4b: {  	[tilespmem:s14], [sflag:$0x1] =	stream.indirect.gather [hbm4b:s7+s8], $0x80, s13, s8, $0xb8;
	[tilespmem:$0x10400] =	vst v63  }
0x4c: {  	_ =	swait.ge [sflag:s15], $0x4000  }
0x4d: {  	[sflag:s15] =	ssyncset.done $0x0  }
0x4e: {  	[sflag:s15] =	ssyncadd.s32 $0xFFFFC000  }
0x4f: {  	_ =	swait.ge [sflag:s15], $0x4000  }
0x50: {  	[sflag:s15] =	ssyncset.done $0x0  }
0x51: {  	[sflag:s15] =	ssyncadd.s32 $0xFFFFC000  }
0x52: {  	_ =	swait.ge [sflag:s15], $0x4000  }
0x53: {  	[sflag:s15] =	ssyncset.done $0x0  }
0x54: {  	[sflag:s15] =	ssyncadd.s32 $0xFFFFC000  }
0x55: {  	_ =	swait.ge [sflag:s15], $0x4000  }
0x56: {  	[sflag:s15] =	ssyncset.done $0x0  }
0x57: {  	[sflag:s15] =	ssyncadd.s32 $0xFFFFC000  }
0x58: {  	[hbm4b:s16+s2] =	stream.linear.scatter [tilespmem:s9], [sflag:$0x2], $0x10000, $0x38;
	[tilespmem:$0x10400] =	vst v63  }
0x59: {  	_ =	swait.ge [sflag:s3], $0x10000  }
0x5a: {  	[sflag:s3] =	ssyncset.done $0x0  }
0x5b: {  	[sflag:s3] =	ssyncadd.s32 $0xFFFF0000  }
0x5c: {  	[tilespmem:s9], [sflag:$0x1] =	stream.indirect.gather [hbm4b:s17+s8], $0x80, s6, s8, $0xb8;
	[tilespmem:$0x10400] =	vst v63  }
0x5d: {  	_ = 	snop  }
0x5e: {  	[tilespmem:s10], [sflag:$0x1] =	stream.indirect.gather [hbm4b:s17+s8], $0x80, s18, s8, $0xb8;
	[tilespmem:$0x10400] =	vst v63  }
0x5f: {  	_ = 	snop  }
0x60: {  	[tilespmem:s12], [sflag:$0x1] =	stream.indirect.gather [hbm4b:s17+s8], $0x80, s19, s8, $0xb8;
	[tilespmem:$0x10400] =	vst v63  }
0x61: {  	_ = 	snop  }
0x62: {  	[tilespmem:s14], [sflag:$0x1] =	stream.indirect.gather [hbm4b:s17+s8], $0x80, s20, s8, $0xb8;
	[tilespmem:$0x10400] =	vst v63  }
0x63: {  	_ =	swait.ge [sflag:s15], $0x4000  }
0x64: {  	[sflag:s15] =	ssyncset.done $0x0  }
0x65: {  	[sflag:s15] =	ssyncadd.s32 $0xFFFFC000  }
0x66: {  	_ =	swait.ge [sflag:s15], $0x4000  }
0x67: {  	[sflag:s15] =	ssyncset.done $0x0  }
0x68: {  	[sflag:s15] =	ssyncadd.s32 $0xFFFFC000  }
0x69: {  	_ =	swait.ge [sflag:s15], $0x4000  }
0x6a: {  	[sflag:s15] =	ssyncset.done $0x0  }
0x6b: {  	[sflag:s15] =	ssyncadd.s32 $0xFFFFC000  }
0x6c: {  	_ =	swait.ge [sflag:s15], $0x4000  }
.Ltmp1:
0x6d: {  	[sflag:s15] =	ssyncset.done $0x0;
	(pc) =	sbr.rel @p0 .LBB2_1-.Ltmp1, $4  }
0x6e: {  	[sflag:s15] =	ssyncadd.s32 $0xFFFFC000  }
0x6f: {  	[hbm4b:s21+s2] =	stream.linear.scatter [tilespmem:s9], [sflag:$0x2], $0x10000, $0x38;
	[tilespmem:$0x10400] =	vst v63  }
0x70: {  	_ =	swait.ge [sflag:s3], $0x10000  }
0x71: {  	[sflag:s3] =	ssyncset.done $0x0  }
.LBB2_2:
0x72: {  	[sflag:s3] =	ssyncadd.s32 $0xFFFF0000  }
0x73: {  	_ =	sfence.sel $0x180000  }
0x74: {  	[bflag:$0x0] =	sbarrier.arrive $0xFFFF  }
0x75: {  	p0 =	sne.s32 s0, $0x0;
	_ =	strace $0x90000047  }
0x76: {  	s0 =	sadd.s32 @!p0 $0x100000, s1;
	[bflag:$0x2] =	sbarrier.arrive $0xFFFF  }
0x77: {  	[sflag:s0] =	ssyncadd.tile.s32 @!p0 $0x1;
	_ =	shalt  }
.Lfunc_end2:
_tile_overlayer_lowered:
.L_overlay_start_2:
0x78: {  	(tag) =	ssettag $0x2  }
0x79: {  	s0 =	rddreg [dreg:$0x0];
	s2 =	stileid.u32  }
0x7a: {  	s1 =	rddreg [dreg:$0x1];
	p0 =	sne.s32 s2, $0x0  }
0x7b: {  	s3 =	rddreg [dreg:$0x2];
	[bflag:$0x3] =	sbarrier.arrive $0xFFFF;
	s2 =	simm.s32 @!p0 $0x1C02  }
0x7c: {  	[timem:s3], [sflag:s2] =	dma.local @!p0 [hbm:s0], s1  }
0x7d: {  	s0 =	simm.s32 @!p0 $0x2  }
0x7e: {  	_ =	swait.ge @!p0 [sflag:s0], s1  }
0x7f: {  	s1 =	ssub.s32 @!p0 $0x0, s1;
	[sflag:s0] =	ssyncset.done @!p0 $0x0  }
0x80: {  	[sflag:s0] =	ssyncadd.s32 @!p0 s1  }
0x81: {  	[bflag:$0x3] =	sbarrier.arrive $0xFFFF  }
0x82: {  	_ =	shalt  }

</sc_bundles>
